<compile_context>
chip_gen: v7x
topology: tpu7x:2x2x1
jax: 0.10.2.dev20260603
libtpu: 0.0.44.dev20260713+nightly
codegen_flags: <defaults>
</compile_context>

<pallas_src>
import functools

import jax
import jax.numpy as jnp
from jax import lax
from jax.experimental import pallas as pl
from jax.experimental.pallas import tpu as pltpu
from jax.experimental.pallas import tpu_sc as plsc

B, N, M = 2, 10000, 16
F = 128
FB = 16

NC, NS = 2, 16
NPAD = 20480
CHUNK = 128
W0_NODES = 640
W1_NODES = 640
NWAVE0 = W0_NODES // CHUNK
NWAVE1 = W1_NODES // CHUNK
CORE0_TOTAL = NS * W0_NODES

NSLOT = 3
WAVE = NS * CHUNK


def _neighbor_sum_body(atom_hbm, adj_hbm, slots_hbm, out_hbm,
                       idxd_v, slots_v, stage_v, acc,
                       gsem0, gsem1, gsem2, ssem0, ssem1, ssem2, isem):
    cid = lax.axis_index("c")
    sid = lax.axis_index("s")
    gsems = [gsem0, gsem1, gsem2]
    ssems = [ssem0, ssem1, ssem2]

    base_w = jnp.where(cid == 0, sid * W0_NODES, CORE0_TOTAL + sid * W1_NODES)
    nwave = jnp.where(cid == 0, NWAVE0, NWAVE1)
    my_slab = acc.at[pl.ds(sid * CHUNK, CHUNK)]

    pltpu.sync_copy(slots_hbm.at[sid], slots_v)
    pltpu.sync_copy(adj_hbm.at[:, pl.ds(base_w, CHUNK)], idxd_v.at[0])

    def wave(c, carry):
        ib = c % 2
        base = base_w + c * CHUNK

        @pl.when(c > 0)
        def _():
            pltpu.make_async_copy(adj_hbm.at[:, pl.ds(base_w, CHUNK)],
                                  idxd_v.at[ib], isem).wait()

        @pl.when(c + 1 < nwave)
        def _():
            pltpu.async_copy(adj_hbm.at[:, pl.ds(base + CHUNK, CHUNK)],
                             idxd_v.at[1 - ib], isem)

        def gather(m, slot, sem):
            return pltpu.async_copy(
                atom_hbm.at[idxd_v.at[ib, m]], stage_v.at[slot], sem)

        gather(0, 0, gsems[0]).wait()
        pltpu.sync_copy(stage_v.at[0], my_slab)

        for j in range(NSLOT):
            gather(j + 1, j, gsems[j])

        def step(i, carry2):
            for j in range(NSLOT):
                m = NSLOT * i + j + 1
                pltpu.make_async_copy(
                    atom_hbm.at[idxd_v.at[0, 0]],
                    stage_v.at[j], gsems[j]).wait()
                pltpu.async_copy(stage_v.at[j], acc.at[slots_v.at[0]],
                                 ssems[j], add=True).wait()
                gather(m + NSLOT, j, gsems[j])
            return carry2

        lax.fori_loop(0, (M - 4) // NSLOT, step, 0)

        for j in range(NSLOT):
            pltpu.make_async_copy(
                atom_hbm.at[idxd_v.at[0, 0]],
                stage_v.at[j], gsems[j]).wait()
            pltpu.async_copy(stage_v.at[j], acc.at[slots_v.at[0]],
                             ssems[j], add=True).wait()

        pltpu.sync_copy(my_slab, out_hbm.at[pl.ds(base, CHUNK)])
        return carry

    lax.fori_loop(0, nwave, wave, 0)


@functools.lru_cache(maxsize=None)
def _neighbor_sum_kernel():
    mesh = plsc.VectorSubcoreMesh(core_axis_name="c", subcore_axis_name="s")
    return pl.kernel(
        _neighbor_sum_body,
        out_type=jax.ShapeDtypeStruct((NPAD, F), jnp.float32),
        mesh=mesh,
        scratch_types=[
            pltpu.VMEM((2, M, CHUNK), jnp.int32),
            pltpu.VMEM((1, CHUNK), jnp.int32),
            pltpu.VMEM((NSLOT, CHUNK, F), jnp.float32),
            pltpu.VMEM_SHARED((WAVE, F), jnp.float32),
            pltpu.SemaphoreType.DMA,
            pltpu.SemaphoreType.DMA,
            pltpu.SemaphoreType.DMA,
            pltpu.SemaphoreType.DMA,
            pltpu.SemaphoreType.DMA,
            pltpu.SemaphoreType.DMA,
            pltpu.SemaphoreType.DMA,
        ],
    )


def _neighbor_sum(atom_flat, adj_t, slots):
    return _neighbor_sum_kernel()(atom_flat, adj_t, slots)


TB = 1000
TR = 2000


def _p_body(bond_ref, sel_ref, p_ref):
    x = bond_ref[0]
    ssq = jnp.dot(x * x, sel_ref[...], preferred_element_type=jnp.float32)
    w = 1.0 / ssq
    w = w / jnp.maximum(jnp.sum(w, axis=1, keepdims=True), 1e-12)
    w8 = w[:, :8] * w[:, 8:]
    w4 = w8[:, :4] * w8[:, 4:]
    w2 = w4[:, :2] * w4[:, 2:]
    p_ref[...] = (w2[:, 0] * w2[:, 1]).reshape(1, 1, TB)


def _r_body(p_ref, r_ref):
    p = p_ref[...]
    q = p / jnp.maximum(jnp.sum(jnp.abs(p), axis=0, keepdims=True), 1e-12)
    s = 1.0 / q
    r_ref[...] = s / jnp.maximum(jnp.sum(jnp.abs(s), axis=1, keepdims=True), 1e-12)


def _out_body(a_ref, nb_ref, r_ref, w_ref, b_ref, o_ref):
    u = (a_ref[...] + nb_ref[...] * (1.0 / M)) * r_ref[...]
    y = jnp.dot(u, w_ref[...], preferred_element_type=jnp.float32) + b_ref[...]
    o_ref[...] = jnp.maximum(y, 0.0)


def kernel(atom, bond, adj_matrix, W1, W2, b1, b2):
    atom_flat = atom.reshape(B * N, F)

    adj = adj_matrix.astype(jnp.int32) + (jnp.arange(B, dtype=jnp.int32) * N)[:, None, None]
    adj_t = adj.reshape(B * N, M).T
    npad = NPAD - B * N
    pad_idx = (jnp.arange(npad, dtype=jnp.int32)[None, :] * M
               + jnp.arange(M, dtype=jnp.int32)[:, None]) % (B * N)
    adj_t = jnp.concatenate([adj_t, pad_idx], axis=1)
    slots = jnp.arange(NS * CHUNK, dtype=jnp.int32).reshape(NS, 1, CHUNK)

    neigh = _neighbor_sum(atom_flat, adj_t, slots)

    nblk = B * N // TB
    bond_r = bond.reshape(nblk, TB, M * FB)
    sel = jnp.kron(jnp.eye(M, dtype=jnp.float32),
                   jnp.ones((FB, 1), dtype=jnp.float32))
    p = pl.pallas_call(
        _p_body,
        out_shape=jax.ShapeDtypeStruct((nblk, 1, TB), jnp.float32),
        grid=(nblk,),
        in_specs=[
            pl.BlockSpec((1, TB, M * FB), lambda i: (i, 0, 0)),
            pl.BlockSpec((M * FB, M), lambda i: (0, 0)),
        ],
        out_specs=pl.BlockSpec((1, 1, TB), lambda i: (i, 0, 0)),
    )(bond_r, sel).reshape(B, N)

    r = pl.pallas_call(
        _r_body,
        out_shape=jax.ShapeDtypeStruct((B, N), jnp.float32),
    )(p)

    out = pl.pallas_call(
        _out_body,
        out_shape=jax.ShapeDtypeStruct((B * N, F), jnp.float32),
        grid=(B * N // TR,),
        in_specs=[
            pl.BlockSpec((TR, F), lambda i: (i, 0)),
            pl.BlockSpec((TR, F), lambda i: (i, 0)),
            pl.BlockSpec((TR, 1), lambda i: (i, 0)),
            pl.BlockSpec((F, F), lambda i: (0, 0)),
            pl.BlockSpec((1, F), lambda i: (0, 0)),
        ],
        out_specs=pl.BlockSpec((TR, F), lambda i: (i, 0)),
    )(atom_flat, neigh, r.reshape(B * N, 1), W1, b1.reshape(1, F))

    return out.reshape(B, N, F)

# --- scband reference (transcript-rebuilt; emitter-appended) ---
"""Pipeline reference for scband-atom-conv-layer-86242943304061 (READ-ONLY COPY).

The authoritative reference and input builder live on the scoring server;
editing this copy changes nothing except your own understanding.
"""

import jax, jax.numpy as jnp
import numpy as np
import math

B, N, M = 2, 10000, 16
F_ATOM, F_BOND = 128, 16
F_OUT = 128


def _l1_normalize(x, axis):
    # torch F.normalize(p=1): x / max(||x||_1, eps)
    denom = jnp.maximum(jnp.sum(jnp.abs(x), axis=axis, keepdims=True), 1e-12)
    return x / denom


def setup_inputs(seed: int = 0) -> dict:
    key = jax.random.key(seed)
    k_atom, k_bond, k_adj, k_w1, k_w2, k_b1, k_b2 = jax.random.split(key, 7)
    atom = jax.random.normal(k_atom, (B, N, F_ATOM), dtype=jnp.float32)
    bond = jax.random.normal(k_bond, (B, N, M, F_BOND), dtype=jnp.float32)
    adj_matrix = jax.random.randint(k_adj, (B, N, M), 0, N, dtype=jnp.int64)
    stdv = 1.0 / math.sqrt(F_OUT)
    W1 = jax.random.uniform(k_w1, (F_ATOM, F_OUT), dtype=jnp.float32, minval=-stdv, maxval=stdv)
    W2 = jax.random.uniform(k_w2, (F_OUT, F_OUT), dtype=jnp.float32, minval=-stdv, maxval=stdv)
    b1 = jax.random.uniform(k_b1, (F_OUT,), dtype=jnp.float32, minval=-stdv, maxval=stdv)
    b2 = jax.random.uniform(k_b2, (F_OUT,), dtype=jnp.float32, minval=-stdv, maxval=stdv)
    return {"atom": atom, "bond": bond, "adj_matrix": adj_matrix,
            "W1": W1, "W2": W2, "b1": b1, "b2": b2}


def reference(atom, bond, adj_matrix, W1, W2, b1, b2):
    # per-batch neighbor gather: atom_neighbor[b] = atom[b, adj_matrix[b]]
    atom_neighbor = jax.vmap(lambda a, idx: jnp.take(a, idx, axis=0))(atom, adj_matrix)  # (B, N, M, F_atom)
    atom_neighbor = jnp.mean(atom_neighbor, axis=-2)  # (B, N, F_atom)

    bond_norm = jnp.sqrt(jnp.sum(bond ** 2, axis=-1))  # (B, N, M)
    bond_norm = bond_norm ** (-2.0)
    bond_norm = _l1_normalize(bond_norm, axis=-1)
    bond_norm = jnp.prod(bond_norm, axis=2)  # (B, N)
    bond_norm = _l1_normalize(bond_norm, axis=0)
    bond_norm = bond_norm ** (-1.0)
    bond_norm = _l1_normalize(bond_norm, axis=1)

    atom_update = atom + atom_neighbor
    atom_update = atom_update * bond_norm[:, :, None]
    atom_update = jnp.matmul(atom_update, W1)
    atom_update = atom_update + b1
    atom_update = jax.nn.relu(atom_update)
    return atom_update


if False:  # reference __main__ guard neutralized (emitter)
    out = reference(**setup_inputs())
    print(out.shape, out.dtype)

if __name__ == "__main__":
    import jax
    _d = setup_inputs()
    print(jax.jit(kernel)(*tuple(_d.values())))

</pallas_src>

<mosaic_0001>
#map = affine_map<(d0, d1) -> (0, 0)>
#map1 = affine_map<(d0, d1) -> (0, 0, 0)>
module attributes {stable_mosaic.version = 14 : i64} {
  func.func @_neighbor_sum_body(%arg0: i32, %arg1: i32, %arg2: memref<20000x128xf32, #tpu.memory_space<hbm>>, %arg3: memref<16x20480xi32, #tpu.memory_space<hbm>>, %arg4: memref<16x1x128xi32, #tpu.memory_space<hbm>>, %arg5: memref<20480x128xf32, #tpu.memory_space<hbm>>, %arg6: memref<2x16x128xi32, #tpu.memory_space<vmem>>, %arg7: memref<1x128xi32, #tpu.memory_space<vmem>>, %arg8: memref<3x128x128xf32, #tpu.memory_space<vmem>>, %arg9: memref<2048x128xf32, #tpu.memory_space<vmem_shared>>, %arg10: memref<!tpu.dma_semaphore, #tpu.memory_space<semaphore_mem>>, %arg11: memref<!tpu.dma_semaphore, #tpu.memory_space<semaphore_mem>>, %arg12: memref<!tpu.dma_semaphore, #tpu.memory_space<semaphore_mem>>, %arg13: memref<!tpu.dma_semaphore, #tpu.memory_space<semaphore_mem>>, %arg14: memref<!tpu.dma_semaphore, #tpu.memory_space<semaphore_mem>>, %arg15: memref<!tpu.dma_semaphore, #tpu.memory_space<semaphore_mem>>, %arg16: memref<!tpu.dma_semaphore, #tpu.memory_space<semaphore_mem>>) attributes {dimension_semantics = [#tpu.dimension_semantics<core_parallel>, #tpu.dimension_semantics<subcore_parallel>], iteration_bounds = array<i64: 2, 16>, scalar_prefetch = 0 : i64, scratch_operands = 11 : i64, tpu.core_type = #tpu.core_type<sc_vector_subcore>, window_params = [{transform_indices = #map}, {transform_indices = #map}, {transform_indices = #map1}, {transform_indices = #map}]} {
    %eq3A = arith.constant 0 : i32
    %eq3A_0 = arith.cmpi eq, %arg0, %eq3A : i32
    %mul3A = arith.constant 640 : i32
    %mul3A_1 = arith.muli %arg1, %mul3A : i32
    %mul3A_2 = arith.constant 640 : i32
    %mul3A_3 = arith.muli %arg1, %mul3A_2 : i32
    %add3A = arith.constant 10240 : i32
    %add3A_4 = arith.addi %add3A, %mul3A_3 : i32
    %select_n3A = arith.select %eq3A_0, %mul3A_1, %add3A_4 : i32
    %eq3A_5 = arith.constant 0 : i32
    %eq3A_6 = arith.cmpi eq, %arg0, %eq3A_5 : i32
    %jit3A = arith.constant 5 : i32
    %jit3A_7 = arith.constant 5 : i32
    %select_n3A_8 = arith.select %eq3A_6, %jit3A, %jit3A_7 : i32
    %mul3A_9 = arith.constant 128 : i32
    %mul3A_10 = arith.muli %arg1, %mul3A_9 : i32
    "tpu.region"() ({
      %run_scoped3A_20 = tpu.sem_alloc : memref<!tpu.dma_semaphore, #tpu.memory_space<semaphore_mem>>
      %dma_start3A = arith.constant 0 : i32
      %dma_start3A_21 = arith.constant 0 : i32
      %dma_start3A_22 = tpu.memref_slice %arg4[%arg1, %dma_start3A, %dma_start3A_21] : memref<16x1x128xi32, #tpu.memory_space<hbm>> -> memref<1x1x128xi32, #tpu.memory_space<hbm>>
      %dma_start3A_23 = tpu.memref_squeeze %dma_start3A_22 : memref<1x1x128xi32, #tpu.memory_space<hbm>> -> memref<1x128xi32, #tpu.memory_space<hbm>>
      %dma_start3A_24 = arith.constant 0 : i32
      %dma_start3A_25 = arith.constant 0 : i32
      %dma_start3A_26 = tpu.memref_slice %arg4[%arg1, %dma_start3A_24, %dma_start3A_25] : memref<16x1x128xi32, #tpu.memory_space<hbm>> -> memref<1x1x128xi32, #tpu.memory_space<hbm>>
      %dma_start3A_27 = tpu.memref_squeeze %dma_start3A_26 : memref<1x1x128xi32, #tpu.memory_space<hbm>> -> memref<1x128xi32, #tpu.memory_space<hbm>>
      tpu.enqueue_dma source(%dma_start3A_27 : memref<1x128xi32, #tpu.memory_space<hbm>>) target(%arg7 : memref<1x128xi32, #tpu.memory_space<vmem>>) target_semaphore(%run_scoped3A_20 : memref<!tpu.dma_semaphore, #tpu.memory_space<semaphore_mem>>)
      %dma_wait3A = arith.constant 0 : i32
      %dma_wait3A_28 = arith.constant 0 : i32
      %dma_wait3A_29 = tpu.memref_slice %arg4[%arg1, %dma_wait3A, %dma_wait3A_28] : memref<16x1x128xi32, #tpu.memory_space<hbm>> -> memref<1x1x128xi32, #tpu.memory_space<hbm>>
      %dma_wait3A_30 = tpu.memref_squeeze %dma_wait3A_29 : memref<1x1x128xi32, #tpu.memory_space<hbm>> -> memref<1x128xi32, #tpu.memory_space<hbm>>
      %dma_wait3A_31 = arith.constant 0 : i32
      %dma_wait3A_32 = arith.constant 0 : i32
      %dma_wait3A_33 = tpu.memref_slice %arg4[%arg1, %dma_wait3A_31, %dma_wait3A_32] : memref<16x1x128xi32, #tpu.memory_space<hbm>> -> memref<1x1x128xi32, #tpu.memory_space<hbm>>
      %dma_wait3A_34 = tpu.memref_squeeze %dma_wait3A_33 : memref<1x1x128xi32, #tpu.memory_space<hbm>> -> memref<1x128xi32, #tpu.memory_space<hbm>>
      tpu.wait_dma2 semaphore(%run_scoped3A_20 : memref<!tpu.dma_semaphore, #tpu.memory_space<semaphore_mem>>) src(%dma_wait3A_34 : memref<1x128xi32, #tpu.memory_space<hbm>>) dst(%arg7 : memref<1x128xi32, #tpu.memory_space<vmem>>)
      tpu.yield
    }) : () -> ()
    %run_scoped3A = arith.constant 0 : i32
    "tpu.region"() ({
      %run_scoped3A_20 = tpu.sem_alloc : memref<!tpu.dma_semaphore, #tpu.memory_space<semaphore_mem>>
      %dma_start3A = arith.constant 0 : i32
      %dma_start3A_21 = arith.constant 0 : i32
      %dma_start3A_22 = tpu.memref_slice %arg6[%run_scoped3A, %dma_start3A, %dma_start3A_21] : memref<2x16x128xi32, #tpu.memory_space<vmem>> -> memref<1x16x128xi32, #tpu.memory_space<vmem>>
      %dma_start3A_23 = tpu.memref_squeeze %dma_start3A_22 : memref<1x16x128xi32, #tpu.memory_space<vmem>> -> memref<16x128xi32, #tpu.memory_space<vmem>>
      %dma_start3A_24 = arith.constant 0 : i32
      %dma_start3A_25 = tpu.memref_slice %arg3[%dma_start3A_24, %select_n3A] : memref<16x20480xi32, #tpu.memory_space<hbm>> -> memref<16x128xi32, #tpu.memory_space<hbm>>
      %dma_start3A_26 = arith.constant 0 : i32
      %dma_start3A_27 = arith.constant 0 : i32
      %dma_start3A_28 = tpu.memref_slice %arg6[%run_scoped3A, %dma_start3A_26, %dma_start3A_27] : memref<2x16x128xi32, #tpu.memory_space<vmem>> -> memref<1x16x128xi32, #tpu.memory_space<vmem>>
      %dma_start3A_29 = tpu.memref_squeeze %dma_start3A_28 : memref<1x16x128xi32, #tpu.memory_space<vmem>> -> memref<16x128xi32, #tpu.memory_space<vmem>>
      %dma_start3A_30 = arith.constant 0 : i32
      %dma_start3A_31 = tpu.memref_slice %arg3[%dma_start3A_30, %select_n3A] : memref<16x20480xi32, #tpu.memory_space<hbm>> -> memref<16x128xi32, #tpu.memory_space<hbm>>
      tpu.enqueue_dma source(%dma_start3A_31 : memref<16x128xi32, #tpu.memory_space<hbm>>) target(%dma_start3A_29 : memref<16x128xi32, #tpu.memory_space<vmem>>) target_semaphore(%run_scoped3A_20 : memref<!tpu.dma_semaphore, #tpu.memory_space<semaphore_mem>>)
      %dma_wait3A = arith.constant 0 : i32
      %dma_wait3A_32 = arith.constant 0 : i32
      %dma_wait3A_33 = tpu.memref_slice %arg6[%run_scoped3A, %dma_wait3A, %dma_wait3A_32] : memref<2x16x128xi32, #tpu.memory_space<vmem>> -> memref<1x16x128xi32, #tpu.memory_space<vmem>>
      %dma_wait3A_34 = tpu.memref_squeeze %dma_wait3A_33 : memref<1x16x128xi32, #tpu.memory_space<vmem>> -> memref<16x128xi32, #tpu.memory_space<vmem>>
      %dma_wait3A_35 = arith.constant 0 : i32
      %dma_wait3A_36 = tpu.memref_slice %arg3[%dma_wait3A_35, %select_n3A] : memref<16x20480xi32, #tpu.memory_space<hbm>> -> memref<16x128xi32, #tpu.memory_space<hbm>>
      %dma_wait3A_37 = arith.constant 0 : i32
      %dma_wait3A_38 = arith.constant 0 : i32
      %dma_wait3A_39 = tpu.memref_slice %arg6[%run_scoped3A, %dma_wait3A_37, %dma_wait3A_38] : memref<2x16x128xi32, #tpu.memory_space<vmem>> -> memref<1x16x128xi32, #tpu.memory_space<vmem>>
      %dma_wait3A_40 = tpu.memref_squeeze %dma_wait3A_39 : memref<1x16x128xi32, #tpu.memory_space<vmem>> -> memref<16x128xi32, #tpu.memory_space<vmem>>
      %dma_wait3A_41 = arith.constant 0 : i32
      %dma_wait3A_42 = tpu.memref_slice %arg3[%dma_wait3A_41, %select_n3A] : memref<16x20480xi32, #tpu.memory_space<hbm>> -> memref<16x128xi32, #tpu.memory_space<hbm>>
      tpu.wait_dma2 semaphore(%run_scoped3A_20 : memref<!tpu.dma_semaphore, #tpu.memory_space<semaphore_mem>>) src(%dma_wait3A_42 : memref<16x128xi32, #tpu.memory_space<hbm>>) dst(%dma_wait3A_40 : memref<16x128xi32, #tpu.memory_space<vmem>>)
      tpu.yield
    }) : () -> ()
    %while3A = arith.constant 0 : i32
    %while3A_11 = arith.constant 0 : i32
    %while3A_12 = arith.subi %select_n3A_8, %while3A_11 : i32
    %while3A_13 = arith.addi %while3A_11, %while3A_12 : i32
    %while3A_14 = arith.constant 1 : i32
    %while3A_15 = arith.divsi %while3A_12, %while3A_14 : i32
    %while3A_16 = arith.muli %while3A_15, %while3A_14 : i32
    %while3A_17 = arith.addi %while3A_11, %while3A_16 : i32
    %while3A_18 = arith.constant 1 : i32
    scf.for %while3A_20 = %while3A_11 to %while3A_17 step %while3A_18  : i32 {
      %jit3A_21 = arith.constant 2 : i32
      %eq3A_22 = arith.constant 0 : i32
      %eq3A_23 = arith.cmpi eq, %jit3A_21, %eq3A_22 : i32
      %jit3A_24 = arith.constant 1 : i32
      %select_n3A_25 = arith.select %eq3A_23, %jit3A_24, %jit3A_21 : i32
      %rem3A = arith.remsi %while3A_20, %select_n3A_25 : i32
      %ne3A = arith.constant 0 : i32
      %ne3A_26 = arith.cmpi ne, %rem3A, %ne3A : i32
      %lt3A = arith.constant 0 : i32
      %lt3A_27 = arith.cmpi slt, %rem3A, %lt3A : i32
      %lt3A_28 = arith.constant 0 : i32
      %lt3A_29 = arith.cmpi slt, %select_n3A_25, %lt3A_28 : i32
      %ne3A_30 = arith.xori %lt3A_27, %lt3A_29 : i1
      %and3A = arith.andi %ne3A_30, %ne3A_26 : i1
      %add3A_31 = arith.addi %rem3A, %select_n3A_25 : i32
      %select_n3A_32 = arith.select %and3A, %add3A_31, %rem3A : i32
      %mul3A_33 = arith.constant 128 : i32
      %mul3A_34 = arith.muli %while3A_20, %mul3A_33 : i32
      %add3A_35 = arith.addi %select_n3A, %mul3A_34 : i32
      %gt3A = arith.constant 0 : i32
      %gt3A_36 = arith.cmpi sgt, %while3A_20, %gt3A : i32
      %convert_element_type3A = arith.extui %gt3A_36 : i1 to i32
      %cond3A = arith.constant 0 : i32
      %cond3A_37 = arith.cmpi ne, %convert_element_type3A, %cond3A : i32
      scf.if %cond3A_37 {
        %dma_wait3A_219 = arith.constant 0 : i32
        %dma_wait3A_220 = arith.constant 0 : i32
        %dma_wait3A_221 = tpu.memref_slice %arg6[%select_n3A_32, %dma_wait3A_219, %dma_wait3A_220] : memref<2x16x128xi32, #tpu.memory_space<vmem>> -> memref<1x16x128xi32, #tpu.memory_space<vmem>>
        %dma_wait3A_222 = tpu.memref_squeeze %dma_wait3A_221 : memref<1x16x128xi32, #tpu.memory_space<vmem>> -> memref<16x128xi32, #tpu.memory_space<vmem>>
        %dma_wait3A_223 = arith.constant 0 : i32
        %dma_wait3A_224 = tpu.memref_slice %arg3[%dma_wait3A_223, %select_n3A] : memref<16x20480xi32, #tpu.memory_space<hbm>> -> memref<16x128xi32, #tpu.memory_space<hbm>>
        %dma_wait3A_225 = arith.constant 0 : i32
        %dma_wait3A_226 = arith.constant 0 : i32
        %dma_wait3A_227 = tpu.memref_slice %arg6[%select_n3A_32, %dma_wait3A_225, %dma_wait3A_226] : memref<2x16x128xi32, #tpu.memory_space<vmem>> -> memref<1x16x128xi32, #tpu.memory_space<vmem>>
        %dma_wait3A_228 = tpu.memref_squeeze %dma_wait3A_227 : memref<1x16x128xi32, #tpu.memory_space<vmem>> -> memref<16x128xi32, #tpu.memory_space<vmem>>
        %dma_wait3A_229 = arith.constant 0 : i32
        %dma_wait3A_230 = tpu.memref_slice %arg3[%dma_wait3A_229, %select_n3A] : memref<16x20480xi32, #tpu.memory_space<hbm>> -> memref<16x128xi32, #tpu.memory_space<hbm>>
        tpu.wait_dma2 semaphore(%arg16 : memref<!tpu.dma_semaphore, #tpu.memory_space<semaphore_mem>>) src(%dma_wait3A_230 : memref<16x128xi32, #tpu.memory_space<hbm>>) dst(%dma_wait3A_228 : memref<16x128xi32, #tpu.memory_space<vmem>>)
      } else {
      }
      %add3A_38 = arith.constant 1 : i32
      %add3A_39 = arith.addi %while3A_20, %add3A_38 : i32
      %lt3A_40 = arith.cmpi slt, %add3A_39, %select_n3A_8 : i32
      %convert_element_type3A_41 = arith.extui %lt3A_40 : i1 to i32
      %cond3A_42 = arith.constant 0 : i32
      %cond3A_43 = arith.cmpi ne, %convert_element_type3A_41, %cond3A_42 : i32
      scf.if %cond3A_43 {
        %add3A_219 = arith.constant 128 : i32
        %add3A_220 = arith.addi %add3A_35, %add3A_219 : i32
        %sub3A = arith.constant 1 : i32
        %sub3A_221 = arith.subi %sub3A, %select_n3A_32 : i32
        %dma_start3A_222 = arith.constant 0 : i32
        %dma_start3A_223 = arith.constant 0 : i32
        %dma_start3A_224 = tpu.memref_slice %arg6[%sub3A_221, %dma_start3A_222, %dma_start3A_223] : memref<2x16x128xi32, #tpu.memory_space<vmem>> -> memref<1x16x128xi32, #tpu.memory_space<vmem>>
        %dma_start3A_225 = tpu.memref_squeeze %dma_start3A_224 : memref<1x16x128xi32, #tpu.memory_space<vmem>> -> memref<16x128xi32, #tpu.memory_space<vmem>>
        %dma_start3A_226 = arith.constant 0 : i32
        %dma_start3A_227 = tpu.memref_slice %arg3[%dma_start3A_226, %add3A_220] : memref<16x20480xi32, #tpu.memory_space<hbm>> -> memref<16x128xi32, #tpu.memory_space<hbm>>
        %dma_start3A_228 = arith.constant 0 : i32
        %dma_start3A_229 = arith.constant 0 : i32
        %dma_start3A_230 = tpu.memref_slice %arg6[%sub3A_221, %dma_start3A_228, %dma_start3A_229] : memref<2x16x128xi32, #tpu.memory_space<vmem>> -> memref<1x16x128xi32, #tpu.memory_space<vmem>>
        %dma_start3A_231 = tpu.memref_squeeze %dma_start3A_230 : memref<1x16x128xi32, #tpu.memory_space<vmem>> -> memref<16x128xi32, #tpu.memory_space<vmem>>
        %dma_start3A_232 = arith.constant 0 : i32
        %dma_start3A_233 = tpu.memref_slice %arg3[%dma_start3A_232, %add3A_220] : memref<16x20480xi32, #tpu.memory_space<hbm>> -> memref<16x128xi32, #tpu.memory_space<hbm>>
        tpu.enqueue_dma source(%dma_start3A_233 : memref<16x128xi32, #tpu.memory_space<hbm>>) target(%dma_start3A_231 : memref<16x128xi32, #tpu.memory_space<vmem>>) target_semaphore(%arg16 : memref<!tpu.dma_semaphore, #tpu.memory_space<semaphore_mem>>)
      } else {
      }
      %dma_start3A = arith.constant 0 : i32
      %dma_start3A_44 = arith.constant 0 : i32
      %dma_start3A_45 = arith.constant 0 : i32
      %dma_start3A_46 = arith.constant 0 : i32
      %dma_start3A_47 = tpu.memref_slice %arg8[%dma_start3A_44, %dma_start3A_45, %dma_start3A_46] : memref<3x128x128xf32, #tpu.memory_space<vmem>> -> memref<1x128x128xf32, #tpu.memory_space<vmem>>
      %dma_start3A_48 = tpu.memref_squeeze %dma_start3A_47 : memref<1x128x128xf32, #tpu.memory_space<vmem>> -> memref<128x128xf32, #tpu.memory_space<vmem>>
      %dma_start3A_49 = arith.constant 0 : i32
      %dma_start3A_50 = tpu.memref_slice %arg6[%select_n3A_32, %dma_start3A, %dma_start3A_49] : memref<2x16x128xi32, #tpu.memory_space<vmem>> -> memref<1x1x128xi32, #tpu.memory_space<vmem>>
      %dma_start3A_51 = tpu.memref_squeeze %dma_start3A_50 : memref<1x1x128xi32, #tpu.memory_space<vmem>> -> memref<128xi32, #tpu.memory_space<vmem>>
      %dma_start3A_52 = arith.constant 0 : i32
      %dma_start3A_53 = arith.constant 0 : i32
      %dma_start3A_54 = tpu.memref_slice %arg2[%dma_start3A_52, %dma_start3A_53] : memref<20000x128xf32, #tpu.memory_space<hbm>> -> memref<20000x128xf32, #tpu.memory_space<hbm>>
      tpu.enqueue_indirect_dma source(%dma_start3A_54 : memref<20000x128xf32, #tpu.memory_space<hbm>>) target(%dma_start3A_48 : memref<128x128xf32, #tpu.memory_space<vmem>>) offsets(%dma_start3A_51 : memref<128xi32, #tpu.memory_space<vmem>>) semaphore(%arg10 : memref<!tpu.dma_semaphore, #tpu.memory_space<semaphore_mem>>)
      %dma_wait3A = arith.constant 0 : i32
      %dma_wait3A_55 = arith.constant 0 : i32
      %dma_wait3A_56 = arith.constant 0 : i32
      %dma_wait3A_57 = arith.constant 0 : i32
      %dma_wait3A_58 = tpu.memref_slice %arg8[%dma_wait3A_55, %dma_wait3A_56, %dma_wait3A_57] : memref<3x128x128xf32, #tpu.memory_space<vmem>> -> memref<1x128x128xf32, #tpu.memory_space<vmem>>
      %dma_wait3A_59 = tpu.memref_squeeze %dma_wait3A_58 : memref<1x128x128xf32, #tpu.memory_space<vmem>> -> memref<128x128xf32, #tpu.memory_space<vmem>>
      %dma_wait3A_60 = arith.constant 0 : i32
      %dma_wait3A_61 = tpu.memref_slice %arg6[%select_n3A_32, %dma_wait3A, %dma_wait3A_60] : memref<2x16x128xi32, #tpu.memory_space<vmem>> -> memref<1x1x128xi32, #tpu.memory_space<vmem>>
      %dma_wait3A_62 = tpu.memref_squeeze %dma_wait3A_61 : memref<1x1x128xi32, #tpu.memory_space<vmem>> -> memref<128xi32, #tpu.memory_space<vmem>>
      %dma_wait3A_63 = arith.constant 0 : i32
      %dma_wait3A_64 = arith.constant 0 : i32
      %dma_wait3A_65 = tpu.memref_slice %arg2[%dma_wait3A_63, %dma_wait3A_64] : memref<20000x128xf32, #tpu.memory_space<hbm>> -> memref<20000x128xf32, #tpu.memory_space<hbm>>
      tpu.wait_indirect_dma semaphore(%arg10 : memref<!tpu.dma_semaphore, #tpu.memory_space<semaphore_mem>>) src(%dma_wait3A_65 : memref<20000x128xf32, #tpu.memory_space<hbm>>) dst(%dma_wait3A_59 : memref<128x128xf32, #tpu.memory_space<vmem>>)
      %run_scoped3A_66 = arith.constant 0 : i32
      "tpu.region"() ({
        %run_scoped3A_219 = tpu.sem_alloc : memref<!tpu.dma_semaphore, #tpu.memory_space<semaphore_mem>>
        %dma_start3A_220 = arith.constant 0 : i32
        %dma_start3A_221 = arith.constant 0 : i32
        %dma_start3A_222 = tpu.memref_slice %arg8[%run_scoped3A_66, %dma_start3A_220, %dma_start3A_221] : memref<3x128x128xf32, #tpu.memory_space<vmem>> -> memref<1x128x128xf32, #tpu.memory_space<vmem>>
        %dma_start3A_223 = tpu.memref_squeeze %dma_start3A_222 : memref<1x128x128xf32, #tpu.memory_space<vmem>> -> memref<128x128xf32, #tpu.memory_space<vmem>>
        %dma_start3A_224 = arith.constant 0 : i32
        %dma_start3A_225 = tpu.memref_slice %arg9[%mul3A_10, %dma_start3A_224] : memref<2048x128xf32, #tpu.memory_space<vmem_shared>> -> memref<128x128xf32, #tpu.memory_space<vmem_shared>>
        %dma_start3A_226 = arith.constant 0 : i32
        %dma_start3A_227 = tpu.memref_slice %arg9[%mul3A_10, %dma_start3A_226] : memref<2048x128xf32, #tpu.memory_space<vmem_shared>> -> memref<128x128xf32, #tpu.memory_space<vmem_shared>>
        %dma_start3A_228 = arith.constant 0 : i32
        %dma_start3A_229 = arith.constant 0 : i32
        %dma_start3A_230 = tpu.memref_slice %arg8[%run_scoped3A_66, %dma_start3A_228, %dma_start3A_229] : memref<3x128x128xf32, #tpu.memory_space<vmem>> -> memref<1x128x128xf32, #tpu.memory_space<vmem>>
        %dma_start3A_231 = tpu.memref_squeeze %dma_start3A_230 : memref<1x128x128xf32, #tpu.memory_space<vmem>> -> memref<128x128xf32, #tpu.memory_space<vmem>>
        tpu.enqueue_dma source(%dma_start3A_231 : memref<128x128xf32, #tpu.memory_space<vmem>>) target(%dma_start3A_227 : memref<128x128xf32, #tpu.memory_space<vmem_shared>>) target_semaphore(%run_scoped3A_219 : memref<!tpu.dma_semaphore, #tpu.memory_space<semaphore_mem>>)
        %dma_wait3A_232 = arith.constant 0 : i32
        %dma_wait3A_233 = arith.constant 0 : i32
        %dma_wait3A_234 = tpu.memref_slice %arg8[%run_scoped3A_66, %dma_wait3A_232, %dma_wait3A_233] : memref<3x128x128xf32, #tpu.memory_space<vmem>> -> memref<1x128x128xf32, #tpu.memory_space<vmem>>
        %dma_wait3A_235 = tpu.memref_squeeze %dma_wait3A_234 : memref<1x128x128xf32, #tpu.memory_space<vmem>> -> memref<128x128xf32, #tpu.memory_space<vmem>>
        %dma_wait3A_236 = arith.constant 0 : i32
        %dma_wait3A_237 = tpu.memref_slice %arg9[%mul3A_10, %dma_wait3A_236] : memref<2048x128xf32, #tpu.memory_space<vmem_shared>> -> memref<128x128xf32, #tpu.memory_space<vmem_shared>>
        %dma_wait3A_238 = arith.constant 0 : i32
        %dma_wait3A_239 = tpu.memref_slice %arg9[%mul3A_10, %dma_wait3A_238] : memref<2048x128xf32, #tpu.memory_space<vmem_shared>> -> memref<128x128xf32, #tpu.memory_space<vmem_shared>>
        %dma_wait3A_240 = arith.constant 0 : i32
        %dma_wait3A_241 = arith.constant 0 : i32
        %dma_wait3A_242 = tpu.memref_slice %arg8[%run_scoped3A_66, %dma_wait3A_240, %dma_wait3A_241] : memref<3x128x128xf32, #tpu.memory_space<vmem>> -> memref<1x128x128xf32, #tpu.memory_space<vmem>>
        %dma_wait3A_243 = tpu.memref_squeeze %dma_wait3A_242 : memref<1x128x128xf32, #tpu.memory_space<vmem>> -> memref<128x128xf32, #tpu.memory_space<vmem>>
        tpu.wait_dma2 semaphore(%run_scoped3A_219 : memref<!tpu.dma_semaphore, #tpu.memory_space<semaphore_mem>>) src(%dma_wait3A_243 : memref<128x128xf32, #tpu.memory_space<vmem>>) dst(%dma_wait3A_239 : memref<128x128xf32, #tpu.memory_space<vmem_shared>>)
        tpu.yield
      }) : () -> ()
      %dma_start3A_67 = arith.constant 1 : i32
      %dma_start3A_68 = arith.constant 0 : i32
      %dma_start3A_69 = arith.constant 0 : i32
      %dma_start3A_70 = arith.constant 0 : i32
      %dma_start3A_71 = tpu.memref_slice %arg8[%dma_start3A_68, %dma_start3A_69, %dma_start3A_70] : memref<3x128x128xf32, #tpu.memory_space<vmem>> -> memref<1x128x128xf32, #tpu.memory_space<vmem>>
      %dma_start3A_72 = tpu.memref_squeeze %dma_start3A_71 : memref<1x128x128xf32, #tpu.memory_space<vmem>> -> memref<128x128xf32, #tpu.memory_space<vmem>>
      %dma_start3A_73 = arith.constant 0 : i32
      %dma_start3A_74 = tpu.memref_slice %arg6[%select_n3A_32, %dma_start3A_67, %dma_start3A_73] : memref<2x16x128xi32, #tpu.memory_space<vmem>> -> memref<1x1x128xi32, #tpu.memory_space<vmem>>
      %dma_start3A_75 = tpu.memref_squeeze %dma_start3A_74 : memref<1x1x128xi32, #tpu.memory_space<vmem>> -> memref<128xi32, #tpu.memory_space<vmem>>
      %dma_start3A_76 = arith.constant 0 : i32
      %dma_start3A_77 = arith.constant 0 : i32
      %dma_start3A_78 = tpu.memref_slice %arg2[%dma_start3A_76, %dma_start3A_77] : memref<20000x128xf32, #tpu.memory_space<hbm>> -> memref<20000x128xf32, #tpu.memory_space<hbm>>
      tpu.enqueue_indirect_dma source(%dma_start3A_78 : memref<20000x128xf32, #tpu.memory_space<hbm>>) target(%dma_start3A_72 : memref<128x128xf32, #tpu.memory_space<vmem>>) offsets(%dma_start3A_75 : memref<128xi32, #tpu.memory_space<vmem>>) semaphore(%arg10 : memref<!tpu.dma_semaphore, #tpu.memory_space<semaphore_mem>>)
      %dma_start3A_79 = arith.constant 2 : i32
      %dma_start3A_80 = arith.constant 1 : i32
      %dma_start3A_81 = arith.constant 0 : i32
      %dma_start3A_82 = arith.constant 0 : i32
      %dma_start3A_83 = tpu.memref_slice %arg8[%dma_start3A_80, %dma_start3A_81, %dma_start3A_82] : memref<3x128x128xf32, #tpu.memory_space<vmem>> -> memref<1x128x128xf32, #tpu.memory_space<vmem>>
      %dma_start3A_84 = tpu.memref_squeeze %dma_start3A_83 : memref<1x128x128xf32, #tpu.memory_space<vmem>> -> memref<128x128xf32, #tpu.memory_space<vmem>>
      %dma_start3A_85 = arith.constant 0 : i32
      %dma_start3A_86 = tpu.memref_slice %arg6[%select_n3A_32, %dma_start3A_79, %dma_start3A_85] : memref<2x16x128xi32, #tpu.memory_space<vmem>> -> memref<1x1x128xi32, #tpu.memory_space<vmem>>
      %dma_start3A_87 = tpu.memref_squeeze %dma_start3A_86 : memref<1x1x128xi32, #tpu.memory_space<vmem>> -> memref<128xi32, #tpu.memory_space<vmem>>
      %dma_start3A_88 = arith.constant 0 : i32
      %dma_start3A_89 = arith.constant 0 : i32
      %dma_start3A_90 = tpu.memref_slice %arg2[%dma_start3A_88, %dma_start3A_89] : memref<20000x128xf32, #tpu.memory_space<hbm>> -> memref<20000x128xf32, #tpu.memory_space<hbm>>
      tpu.enqueue_indirect_dma source(%dma_start3A_90 : memref<20000x128xf32, #tpu.memory_space<hbm>>) target(%dma_start3A_84 : memref<128x128xf32, #tpu.memory_space<vmem>>) offsets(%dma_start3A_87 : memref<128xi32, #tpu.memory_space<vmem>>) semaphore(%arg11 : memref<!tpu.dma_semaphore, #tpu.memory_space<semaphore_mem>>)
      %dma_start3A_91 = arith.constant 3 : i32
      %dma_start3A_92 = arith.constant 2 : i32
      %dma_start3A_93 = arith.constant 0 : i32
      %dma_start3A_94 = arith.constant 0 : i32
      %dma_start3A_95 = tpu.memref_slice %arg8[%dma_start3A_92, %dma_start3A_93, %dma_start3A_94] : memref<3x128x128xf32, #tpu.memory_space<vmem>> -> memref<1x128x128xf32, #tpu.memory_space<vmem>>
      %dma_start3A_96 = tpu.memref_squeeze %dma_start3A_95 : memref<1x128x128xf32, #tpu.memory_space<vmem>> -> memref<128x128xf32, #tpu.memory_space<vmem>>
      %dma_start3A_97 = arith.constant 0 : i32
      %dma_start3A_98 = tpu.memref_slice %arg6[%select_n3A_32, %dma_start3A_91, %dma_start3A_97] : memref<2x16x128xi32, #tpu.memory_space<vmem>> -> memref<1x1x128xi32, #tpu.memory_space<vmem>>
      %dma_start3A_99 = tpu.memref_squeeze %dma_start3A_98 : memref<1x1x128xi32, #tpu.memory_space<vmem>> -> memref<128xi32, #tpu.memory_space<vmem>>
      %dma_start3A_100 = arith.constant 0 : i32
      %dma_start3A_101 = arith.constant 0 : i32
      %dma_start3A_102 = tpu.memref_slice %arg2[%dma_start3A_100, %dma_start3A_101] : memref<20000x128xf32, #tpu.memory_space<hbm>> -> memref<20000x128xf32, #tpu.memory_space<hbm>>
      tpu.enqueue_indirect_dma source(%dma_start3A_102 : memref<20000x128xf32, #tpu.memory_space<hbm>>) target(%dma_start3A_96 : memref<128x128xf32, #tpu.memory_space<vmem>>) offsets(%dma_start3A_99 : memref<128xi32, #tpu.memory_space<vmem>>) semaphore(%arg12 : memref<!tpu.dma_semaphore, #tpu.memory_space<semaphore_mem>>)
      %scan3A = arith.constant 0 : i32
      %scan3A_103 = arith.constant 0 : i32
      %scan3A_104 = arith.constant 4 : i32
      %scan3A_105 = arith.addi %scan3A_103, %scan3A_104 : i32
      %scan3A_106 = arith.constant 1 : i32
      scf.for %scan3A_219 = %scan3A_103 to %scan3A_105 step %scan3A_106  : i32 {
        %mul3A_220 = arith.constant 3 : i32
        %mul3A_221 = arith.muli %mul3A_220, %scan3A_219 : i32
        %add3A_222 = arith.constant 0 : i32
        %add3A_223 = arith.addi %mul3A_221, %add3A_222 : i32
        %add3A_224 = arith.constant 1 : i32
        %add3A_225 = arith.addi %add3A_223, %add3A_224 : i32
        %dma_wait3A_226 = arith.constant 0 : i32
        %dma_wait3A_227 = arith.constant 0 : i32
        %dma_wait3A_228 = arith.constant 0 : i32
        %dma_wait3A_229 = arith.constant 0 : i32
        %dma_wait3A_230 = arith.constant 0 : i32
        %dma_wait3A_231 = tpu.memref_slice %arg8[%dma_wait3A_228, %dma_wait3A_229, %dma_wait3A_230] : memref<3x128x128xf32, #tpu.memory_space<vmem>> -> memref<1x128x128xf32, #tpu.memory_space<vmem>>
        %dma_wait3A_232 = tpu.memref_squeeze %dma_wait3A_231 : memref<1x128x128xf32, #tpu.memory_space<vmem>> -> memref<128x128xf32, #tpu.memory_space<vmem>>
        %dma_wait3A_233 = arith.constant 0 : i32
        %dma_wait3A_234 = tpu.memref_slice %arg6[%dma_wait3A_226, %dma_wait3A_227, %dma_wait3A_233] : memref<2x16x128xi32, #tpu.memory_space<vmem>> -> memref<1x1x128xi32, #tpu.memory_space<vmem>>
        %dma_wait3A_235 = tpu.memref_squeeze %dma_wait3A_234 : memref<1x1x128xi32, #tpu.memory_space<vmem>> -> memref<128xi32, #tpu.memory_space<vmem>>
        %dma_wait3A_236 = arith.constant 0 : i32
        %dma_wait3A_237 = arith.constant 0 : i32
        %dma_wait3A_238 = tpu.memref_slice %arg2[%dma_wait3A_236, %dma_wait3A_237] : memref<20000x128xf32, #tpu.memory_space<hbm>> -> memref<20000x128xf32, #tpu.memory_space<hbm>>
        tpu.wait_indirect_dma semaphore(%arg10 : memref<!tpu.dma_semaphore, #tpu.memory_space<semaphore_mem>>) src(%dma_wait3A_238 : memref<20000x128xf32, #tpu.memory_space<hbm>>) dst(%dma_wait3A_232 : memref<128x128xf32, #tpu.memory_space<vmem>>)
        %dma_start3A_239 = arith.constant 0 : i32
        %dma_start3A_240 = arith.constant 0 : i32
        %dma_start3A_241 = arith.constant 0 : i32
        %dma_start3A_242 = arith.constant 0 : i32
        %dma_start3A_243 = tpu.memref_slice %arg8[%dma_start3A_239, %dma_start3A_241, %dma_start3A_242] : memref<3x128x128xf32, #tpu.memory_space<vmem>> -> memref<1x128x128xf32, #tpu.memory_space<vmem>>
        %dma_start3A_244 = tpu.memref_squeeze %dma_start3A_243 : memref<1x128x128xf32, #tpu.memory_space<vmem>> -> memref<128x128xf32, #tpu.memory_space<vmem>>
        %dma_start3A_245 = arith.constant 0 : i32
        %dma_start3A_246 = tpu.memref_slice %arg7[%dma_start3A_240, %dma_start3A_245] : memref<1x128xi32, #tpu.memory_space<vmem>> -> memref<1x128xi32, #tpu.memory_space<vmem>>
        %dma_start3A_247 = tpu.memref_squeeze %dma_start3A_246 : memref<1x128xi32, #tpu.memory_space<vmem>> -> memref<128xi32, #tpu.memory_space<vmem>>
        %dma_start3A_248 = arith.constant 0 : i32
        %dma_start3A_249 = arith.constant 0 : i32
        %dma_start3A_250 = tpu.memref_slice %arg9[%dma_start3A_248, %dma_start3A_249] : memref<2048x128xf32, #tpu.memory_space<vmem_shared>> -> memref<2048x128xf32, #tpu.memory_space<vmem_shared>>
        tpu.enqueue_indirect_dma source(%dma_start3A_244 : memref<128x128xf32, #tpu.memory_space<vmem>>) target(%dma_start3A_250 : memref<2048x128xf32, #tpu.memory_space<vmem_shared>>) offsets(%dma_start3A_247 : memref<128xi32, #tpu.memory_space<vmem>>) semaphore(%arg13 : memref<!tpu.dma_semaphore, #tpu.memory_space<semaphore_mem>>) {add = true}
        %dma_wait3A_251 = arith.constant 0 : i32
        %dma_wait3A_252 = arith.constant 0 : i32
        %dma_wait3A_253 = arith.constant 0 : i32
        %dma_wait3A_254 = arith.constant 0 : i32
        %dma_wait3A_255 = tpu.memref_slice %arg8[%dma_wait3A_251, %dma_wait3A_253, %dma_wait3A_254] : memref<3x128x128xf32, #tpu.memory_space<vmem>> -> memref<1x128x128xf32, #tpu.memory_space<vmem>>
        %dma_wait3A_256 = tpu.memref_squeeze %dma_wait3A_255 : memref<1x128x128xf32, #tpu.memory_space<vmem>> -> memref<128x128xf32, #tpu.memory_space<vmem>>
        %dma_wait3A_257 = arith.constant 0 : i32
        %dma_wait3A_258 = tpu.memref_slice %arg7[%dma_wait3A_252, %dma_wait3A_257] : memref<1x128xi32, #tpu.memory_space<vmem>> -> memref<1x128xi32, #tpu.memory_space<vmem>>
        %dma_wait3A_259 = tpu.memref_squeeze %dma_wait3A_258 : memref<1x128xi32, #tpu.memory_space<vmem>> -> memref<128xi32, #tpu.memory_space<vmem>>
        %dma_wait3A_260 = arith.constant 0 : i32
        %dma_wait3A_261 = arith.constant 0 : i32
        %dma_wait3A_262 = tpu.memref_slice %arg9[%dma_wait3A_260, %dma_wait3A_261] : memref<2048x128xf32, #tpu.memory_space<vmem_shared>> -> memref<2048x128xf32, #tpu.memory_space<vmem_shared>>
        tpu.wait_indirect_dma semaphore(%arg13 : memref<!tpu.dma_semaphore, #tpu.memory_space<semaphore_mem>>) src(%dma_wait3A_256 : memref<128x128xf32, #tpu.memory_space<vmem>>) dst(%dma_wait3A_262 : memref<2048x128xf32, #tpu.memory_space<vmem_shared>>)
        %add3A_263 = arith.constant 3 : i32
        %add3A_264 = arith.addi %add3A_225, %add3A_263 : i32
        %dma_start3A_265 = arith.constant 0 : i32
        %dma_start3A_266 = arith.constant 0 : i32
        %dma_start3A_267 = arith.constant 0 : i32
        %dma_start3A_268 = tpu.memref_slice %arg8[%dma_start3A_265, %dma_start3A_266, %dma_start3A_267] : memref<3x128x128xf32, #tpu.memory_space<vmem>> -> memref<1x128x128xf32, #tpu.memory_space<vmem>>
        %dma_start3A_269 = tpu.memref_squeeze %dma_start3A_268 : memref<1x128x128xf32, #tpu.memory_space<vmem>> -> memref<128x128xf32, #tpu.memory_space<vmem>>
        %dma_start3A_270 = arith.constant 0 : i32
        %dma_start3A_271 = tpu.memref_slice %arg6[%select_n3A_32, %add3A_264, %dma_start3A_270] : memref<2x16x128xi32, #tpu.memory_space<vmem>> -> memref<1x1x128xi32, #tpu.memory_space<vmem>>
        %dma_start3A_272 = tpu.memref_squeeze %dma_start3A_271 : memref<1x1x128xi32, #tpu.memory_space<vmem>> -> memref<128xi32, #tpu.memory_space<vmem>>
        %dma_start3A_273 = arith.constant 0 : i32
        %dma_start3A_274 = arith.constant 0 : i32
        %dma_start3A_275 = tpu.memref_slice %arg2[%dma_start3A_273, %dma_start3A_274] : memref<20000x128xf32, #tpu.memory_space<hbm>> -> memref<20000x128xf32, #tpu.memory_space<hbm>>
        tpu.enqueue_indirect_dma source(%dma_start3A_275 : memref<20000x128xf32, #tpu.memory_space<hbm>>) target(%dma_start3A_269 : memref<128x128xf32, #tpu.memory_space<vmem>>) offsets(%dma_start3A_272 : memref<128xi32, #tpu.memory_space<vmem>>) semaphore(%arg10 : memref<!tpu.dma_semaphore, #tpu.memory_space<semaphore_mem>>)
        %mul3A_276 = arith.constant 3 : i32
        %mul3A_277 = arith.muli %mul3A_276, %scan3A_219 : i32
        %add3A_278 = arith.constant 1 : i32
        %add3A_279 = arith.addi %mul3A_277, %add3A_278 : i32
        %add3A_280 = arith.constant 1 : i32
        %add3A_281 = arith.addi %add3A_279, %add3A_280 : i32
        %dma_wait3A_282 = arith.constant 0 : i32
        %dma_wait3A_283 = arith.constant 0 : i32
        %dma_wait3A_284 = arith.constant 1 : i32
        %dma_wait3A_285 = arith.constant 0 : i32
        %dma_wait3A_286 = arith.constant 0 : i32
        %dma_wait3A_287 = tpu.memref_slice %arg8[%dma_wait3A_284, %dma_wait3A_285, %dma_wait3A_286] : memref<3x128x128xf32, #tpu.memory_space<vmem>> -> memref<1x128x128xf32, #tpu.memory_space<vmem>>
        %dma_wait3A_288 = tpu.memref_squeeze %dma_wait3A_287 : memref<1x128x128xf32, #tpu.memory_space<vmem>> -> memref<128x128xf32, #tpu.memory_space<vmem>>
        %dma_wait3A_289 = arith.constant 0 : i32
        %dma_wait3A_290 = tpu.memref_slice %arg6[%dma_wait3A_282, %dma_wait3A_283, %dma_wait3A_289] : memref<2x16x128xi32, #tpu.memory_space<vmem>> -> memref<1x1x128xi32, #tpu.memory_space<vmem>>
        %dma_wait3A_291 = tpu.memref_squeeze %dma_wait3A_290 : memref<1x1x128xi32, #tpu.memory_space<vmem>> -> memref<128xi32, #tpu.memory_space<vmem>>
        %dma_wait3A_292 = arith.constant 0 : i32
        %dma_wait3A_293 = arith.constant 0 : i32
        %dma_wait3A_294 = tpu.memref_slice %arg2[%dma_wait3A_292, %dma_wait3A_293] : memref<20000x128xf32, #tpu.memory_space<hbm>> -> memref<20000x128xf32, #tpu.memory_space<hbm>>
        tpu.wait_indirect_dma semaphore(%arg11 : memref<!tpu.dma_semaphore, #tpu.memory_space<semaphore_mem>>) src(%dma_wait3A_294 : memref<20000x128xf32, #tpu.memory_space<hbm>>) dst(%dma_wait3A_288 : memref<128x128xf32, #tpu.memory_space<vmem>>)
        %dma_start3A_295 = arith.constant 1 : i32
        %dma_start3A_296 = arith.constant 0 : i32
        %dma_start3A_297 = arith.constant 0 : i32
        %dma_start3A_298 = arith.constant 0 : i32
        %dma_start3A_299 = tpu.memref_slice %arg8[%dma_start3A_295, %dma_start3A_297, %dma_start3A_298] : memref<3x128x128xf32, #tpu.memory_space<vmem>> -> memref<1x128x128xf32, #tpu.memory_space<vmem>>
        %dma_start3A_300 = tpu.memref_squeeze %dma_start3A_299 : memref<1x128x128xf32, #tpu.memory_space<vmem>> -> memref<128x128xf32, #tpu.memory_space<vmem>>
        %dma_start3A_301 = arith.constant 0 : i32
        %dma_start3A_302 = tpu.memref_slice %arg7[%dma_start3A_296, %dma_start3A_301] : memref<1x128xi32, #tpu.memory_space<vmem>> -> memref<1x128xi32, #tpu.memory_space<vmem>>
        %dma_start3A_303 = tpu.memref_squeeze %dma_start3A_302 : memref<1x128xi32, #tpu.memory_space<vmem>> -> memref<128xi32, #tpu.memory_space<vmem>>
        %dma_start3A_304 = arith.constant 0 : i32
        %dma_start3A_305 = arith.constant 0 : i32
        %dma_start3A_306 = tpu.memref_slice %arg9[%dma_start3A_304, %dma_start3A_305] : memref<2048x128xf32, #tpu.memory_space<vmem_shared>> -> memref<2048x128xf32, #tpu.memory_space<vmem_shared>>
        tpu.enqueue_indirect_dma source(%dma_start3A_300 : memref<128x128xf32, #tpu.memory_space<vmem>>) target(%dma_start3A_306 : memref<2048x128xf32, #tpu.memory_space<vmem_shared>>) offsets(%dma_start3A_303 : memref<128xi32, #tpu.memory_space<vmem>>) semaphore(%arg14 : memref<!tpu.dma_semaphore, #tpu.memory_space<semaphore_mem>>) {add = true}
        %dma_wait3A_307 = arith.constant 1 : i32
        %dma_wait3A_308 = arith.constant 0 : i32
        %dma_wait3A_309 = arith.constant 0 : i32
        %dma_wait3A_310 = arith.constant 0 : i32
        %dma_wait3A_311 = tpu.memref_slice %arg8[%dma_wait3A_307, %dma_wait3A_309, %dma_wait3A_310] : memref<3x128x128xf32, #tpu.memory_space<vmem>> -> memref<1x128x128xf32, #tpu.memory_space<vmem>>
        %dma_wait3A_312 = tpu.memref_squeeze %dma_wait3A_311 : memref<1x128x128xf32, #tpu.memory_space<vmem>> -> memref<128x128xf32, #tpu.memory_space<vmem>>
        %dma_wait3A_313 = arith.constant 0 : i32
        %dma_wait3A_314 = tpu.memref_slice %arg7[%dma_wait3A_308, %dma_wait3A_313] : memref<1x128xi32, #tpu.memory_space<vmem>> -> memref<1x128xi32, #tpu.memory_space<vmem>>
        %dma_wait3A_315 = tpu.memref_squeeze %dma_wait3A_314 : memref<1x128xi32, #tpu.memory_space<vmem>> -> memref<128xi32, #tpu.memory_space<vmem>>
        %dma_wait3A_316 = arith.constant 0 : i32
        %dma_wait3A_317 = arith.constant 0 : i32
        %dma_wait3A_318 = tpu.memref_slice %arg9[%dma_wait3A_316, %dma_wait3A_317] : memref<2048x128xf32, #tpu.memory_space<vmem_shared>> -> memref<2048x128xf32, #tpu.memory_space<vmem_shared>>
        tpu.wait_indirect_dma semaphore(%arg14 : memref<!tpu.dma_semaphore, #tpu.memory_space<semaphore_mem>>) src(%dma_wait3A_312 : memref<128x128xf32, #tpu.memory_space<vmem>>) dst(%dma_wait3A_318 : memref<2048x128xf32, #tpu.memory_space<vmem_shared>>)
        %add3A_319 = arith.constant 3 : i32
        %add3A_320 = arith.addi %add3A_281, %add3A_319 : i32
        %dma_start3A_321 = arith.constant 1 : i32
        %dma_start3A_322 = arith.constant 0 : i32
        %dma_start3A_323 = arith.constant 0 : i32
        %dma_start3A_324 = tpu.memref_slice %arg8[%dma_start3A_321, %dma_start3A_322, %dma_start3A_323] : memref<3x128x128xf32, #tpu.memory_space<vmem>> -> memref<1x128x128xf32, #tpu.memory_space<vmem>>
        %dma_start3A_325 = tpu.memref_squeeze %dma_start3A_324 : memref<1x128x128xf32, #tpu.memory_space<vmem>> -> memref<128x128xf32, #tpu.memory_space<vmem>>
        %dma_start3A_326 = arith.constant 0 : i32
        %dma_start3A_327 = tpu.memref_slice %arg6[%select_n3A_32, %add3A_320, %dma_start3A_326] : memref<2x16x128xi32, #tpu.memory_space<vmem>> -> memref<1x1x128xi32, #tpu.memory_space<vmem>>
        %dma_start3A_328 = tpu.memref_squeeze %dma_start3A_327 : memref<1x1x128xi32, #tpu.memory_space<vmem>> -> memref<128xi32, #tpu.memory_space<vmem>>
        %dma_start3A_329 = arith.constant 0 : i32
        %dma_start3A_330 = arith.constant 0 : i32
        %dma_start3A_331 = tpu.memref_slice %arg2[%dma_start3A_329, %dma_start3A_330] : memref<20000x128xf32, #tpu.memory_space<hbm>> -> memref<20000x128xf32, #tpu.memory_space<hbm>>
        tpu.enqueue_indirect_dma source(%dma_start3A_331 : memref<20000x128xf32, #tpu.memory_space<hbm>>) target(%dma_start3A_325 : memref<128x128xf32, #tpu.memory_space<vmem>>) offsets(%dma_start3A_328 : memref<128xi32, #tpu.memory_space<vmem>>) semaphore(%arg11 : memref<!tpu.dma_semaphore, #tpu.memory_space<semaphore_mem>>)
        %mul3A_332 = arith.constant 3 : i32
        %mul3A_333 = arith.muli %mul3A_332, %scan3A_219 : i32
        %add3A_334 = arith.constant 2 : i32
        %add3A_335 = arith.addi %mul3A_333, %add3A_334 : i32
        %add3A_336 = arith.constant 1 : i32
        %add3A_337 = arith.addi %add3A_335, %add3A_336 : i32
        %dma_wait3A_338 = arith.constant 0 : i32
        %dma_wait3A_339 = arith.constant 0 : i32
        %dma_wait3A_340 = arith.constant 2 : i32
        %dma_wait3A_341 = arith.constant 0 : i32
        %dma_wait3A_342 = arith.constant 0 : i32
        %dma_wait3A_343 = tpu.memref_slice %arg8[%dma_wait3A_340, %dma_wait3A_341, %dma_wait3A_342] : memref<3x128x128xf32, #tpu.memory_space<vmem>> -> memref<1x128x128xf32, #tpu.memory_space<vmem>>
        %dma_wait3A_344 = tpu.memref_squeeze %dma_wait3A_343 : memref<1x128x128xf32, #tpu.memory_space<vmem>> -> memref<128x128xf32, #tpu.memory_space<vmem>>
        %dma_wait3A_345 = arith.constant 0 : i32
        %dma_wait3A_346 = tpu.memref_slice %arg6[%dma_wait3A_338, %dma_wait3A_339, %dma_wait3A_345] : memref<2x16x128xi32, #tpu.memory_space<vmem>> -> memref<1x1x128xi32, #tpu.memory_space<vmem>>
        %dma_wait3A_347 = tpu.memref_squeeze %dma_wait3A_346 : memref<1x1x128xi32, #tpu.memory_space<vmem>> -> memref<128xi32, #tpu.memory_space<vmem>>
        %dma_wait3A_348 = arith.constant 0 : i32
        %dma_wait3A_349 = arith.constant 0 : i32
        %dma_wait3A_350 = tpu.memref_slice %arg2[%dma_wait3A_348, %dma_wait3A_349] : memref<20000x128xf32, #tpu.memory_space<hbm>> -> memref<20000x128xf32, #tpu.memory_space<hbm>>
        tpu.wait_indirect_dma semaphore(%arg12 : memref<!tpu.dma_semaphore, #tpu.memory_space<semaphore_mem>>) src(%dma_wait3A_350 : memref<20000x128xf32, #tpu.memory_space<hbm>>) dst(%dma_wait3A_344 : memref<128x128xf32, #tpu.memory_space<vmem>>)
        %dma_start3A_351 = arith.constant 2 : i32
        %dma_start3A_352 = arith.constant 0 : i32
        %dma_start3A_353 = arith.constant 0 : i32
        %dma_start3A_354 = arith.constant 0 : i32
        %dma_start3A_355 = tpu.memref_slice %arg8[%dma_start3A_351, %dma_start3A_353, %dma_start3A_354] : memref<3x128x128xf32, #tpu.memory_space<vmem>> -> memref<1x128x128xf32, #tpu.memory_space<vmem>>
        %dma_start3A_356 = tpu.memref_squeeze %dma_start3A_355 : memref<1x128x128xf32, #tpu.memory_space<vmem>> -> memref<128x128xf32, #tpu.memory_space<vmem>>
        %dma_start3A_357 = arith.constant 0 : i32
        %dma_start3A_358 = tpu.memref_slice %arg7[%dma_start3A_352, %dma_start3A_357] : memref<1x128xi32, #tpu.memory_space<vmem>> -> memref<1x128xi32, #tpu.memory_space<vmem>>
        %dma_start3A_359 = tpu.memref_squeeze %dma_start3A_358 : memref<1x128xi32, #tpu.memory_space<vmem>> -> memref<128xi32, #tpu.memory_space<vmem>>
        %dma_start3A_360 = arith.constant 0 : i32
        %dma_start3A_361 = arith.constant 0 : i32
        %dma_start3A_362 = tpu.memref_slice %arg9[%dma_start3A_360, %dma_start3A_361] : memref<2048x128xf32, #tpu.memory_space<vmem_shared>> -> memref<2048x128xf32, #tpu.memory_space<vmem_shared>>
        tpu.enqueue_indirect_dma source(%dma_start3A_356 : memref<128x128xf32, #tpu.memory_space<vmem>>) target(%dma_start3A_362 : memref<2048x128xf32, #tpu.memory_space<vmem_shared>>) offsets(%dma_start3A_359 : memref<128xi32, #tpu.memory_space<vmem>>) semaphore(%arg15 : memref<!tpu.dma_semaphore, #tpu.memory_space<semaphore_mem>>) {add = true}
        %dma_wait3A_363 = arith.constant 2 : i32
        %dma_wait3A_364 = arith.constant 0 : i32
        %dma_wait3A_365 = arith.constant 0 : i32
        %dma_wait3A_366 = arith.constant 0 : i32
        %dma_wait3A_367 = tpu.memref_slice %arg8[%dma_wait3A_363, %dma_wait3A_365, %dma_wait3A_366] : memref<3x128x128xf32, #tpu.memory_space<vmem>> -> memref<1x128x128xf32, #tpu.memory_space<vmem>>
        %dma_wait3A_368 = tpu.memref_squeeze %dma_wait3A_367 : memref<1x128x128xf32, #tpu.memory_space<vmem>> -> memref<128x128xf32, #tpu.memory_space<vmem>>
        %dma_wait3A_369 = arith.constant 0 : i32
        %dma_wait3A_370 = tpu.memref_slice %arg7[%dma_wait3A_364, %dma_wait3A_369] : memref<1x128xi32, #tpu.memory_space<vmem>> -> memref<1x128xi32, #tpu.memory_space<vmem>>
        %dma_wait3A_371 = tpu.memref_squeeze %dma_wait3A_370 : memref<1x128xi32, #tpu.memory_space<vmem>> -> memref<128xi32, #tpu.memory_space<vmem>>
        %dma_wait3A_372 = arith.constant 0 : i32
        %dma_wait3A_373 = arith.constant 0 : i32
        %dma_wait3A_374 = tpu.memref_slice %arg9[%dma_wait3A_372, %dma_wait3A_373] : memref<2048x128xf32, #tpu.memory_space<vmem_shared>> -> memref<2048x128xf32, #tpu.memory_space<vmem_shared>>
        tpu.wait_indirect_dma semaphore(%arg15 : memref<!tpu.dma_semaphore, #tpu.memory_space<semaphore_mem>>) src(%dma_wait3A_368 : memref<128x128xf32, #tpu.memory_space<vmem>>) dst(%dma_wait3A_374 : memref<2048x128xf32, #tpu.memory_space<vmem_shared>>)
        %add3A_375 = arith.constant 3 : i32
        %add3A_376 = arith.addi %add3A_337, %add3A_375 : i32
        %dma_start3A_377 = arith.constant 2 : i32
        %dma_start3A_378 = arith.constant 0 : i32
        %dma_start3A_379 = arith.constant 0 : i32
        %dma_start3A_380 = tpu.memref_slice %arg8[%dma_start3A_377, %dma_start3A_378, %dma_start3A_379] : memref<3x128x128xf32, #tpu.memory_space<vmem>> -> memref<1x128x128xf32, #tpu.memory_space<vmem>>
        %dma_start3A_381 = tpu.memref_squeeze %dma_start3A_380 : memref<1x128x128xf32, #tpu.memory_space<vmem>> -> memref<128x128xf32, #tpu.memory_space<vmem>>
        %dma_start3A_382 = arith.constant 0 : i32
        %dma_start3A_383 = tpu.memref_slice %arg6[%select_n3A_32, %add3A_376, %dma_start3A_382] : memref<2x16x128xi32, #tpu.memory_space<vmem>> -> memref<1x1x128xi32, #tpu.memory_space<vmem>>
        %dma_start3A_384 = tpu.memref_squeeze %dma_start3A_383 : memref<1x1x128xi32, #tpu.memory_space<vmem>> -> memref<128xi32, #tpu.memory_space<vmem>>
        %dma_start3A_385 = arith.constant 0 : i32
        %dma_start3A_386 = arith.constant 0 : i32
        %dma_start3A_387 = tpu.memref_slice %arg2[%dma_start3A_385, %dma_start3A_386] : memref<20000x128xf32, #tpu.memory_space<hbm>> -> memref<20000x128xf32, #tpu.memory_space<hbm>>
        tpu.enqueue_indirect_dma source(%dma_start3A_387 : memref<20000x128xf32, #tpu.memory_space<hbm>>) target(%dma_start3A_381 : memref<128x128xf32, #tpu.memory_space<vmem>>) offsets(%dma_start3A_384 : memref<128xi32, #tpu.memory_space<vmem>>) semaphore(%arg12 : memref<!tpu.dma_semaphore, #tpu.memory_space<semaphore_mem>>)
      }
      %scan3A_107 = arith.constant 4 : i32
      %dma_wait3A_108 = arith.constant 0 : i32
      %dma_wait3A_109 = arith.constant 0 : i32
      %dma_wait3A_110 = arith.constant 0 : i32
      %dma_wait3A_111 = arith.constant 0 : i32
      %dma_wait3A_112 = arith.constant 0 : i32
      %dma_wait3A_113 = tpu.memref_slice %arg8[%dma_wait3A_110, %dma_wait3A_111, %dma_wait3A_112] : memref<3x128x128xf32, #tpu.memory_space<vmem>> -> memref<1x128x128xf32, #tpu.memory_space<vmem>>
      %dma_wait3A_114 = tpu.memref_squeeze %dma_wait3A_113 : memref<1x128x128xf32, #tpu.memory_space<vmem>> -> memref<128x128xf32, #tpu.memory_space<vmem>>
      %dma_wait3A_115 = arith.constant 0 : i32
      %dma_wait3A_116 = tpu.memref_slice %arg6[%dma_wait3A_108, %dma_wait3A_109, %dma_wait3A_115] : memref<2x16x128xi32, #tpu.memory_space<vmem>> -> memref<1x1x128xi32, #tpu.memory_space<vmem>>
      %dma_wait3A_117 = tpu.memref_squeeze %dma_wait3A_116 : memref<1x1x128xi32, #tpu.memory_space<vmem>> -> memref<128xi32, #tpu.memory_space<vmem>>
      %dma_wait3A_118 = arith.constant 0 : i32
      %dma_wait3A_119 = arith.constant 0 : i32
      %dma_wait3A_120 = tpu.memref_slice %arg2[%dma_wait3A_118, %dma_wait3A_119] : memref<20000x128xf32, #tpu.memory_space<hbm>> -> memref<20000x128xf32, #tpu.memory_space<hbm>>
      tpu.wait_indirect_dma semaphore(%arg10 : memref<!tpu.dma_semaphore, #tpu.memory_space<semaphore_mem>>) src(%dma_wait3A_120 : memref<20000x128xf32, #tpu.memory_space<hbm>>) dst(%dma_wait3A_114 : memref<128x128xf32, #tpu.memory_space<vmem>>)
      %dma_start3A_121 = arith.constant 0 : i32
      %dma_start3A_122 = arith.constant 0 : i32
      %dma_start3A_123 = arith.constant 0 : i32
      %dma_start3A_124 = arith.constant 0 : i32
      %dma_start3A_125 = tpu.memref_slice %arg8[%dma_start3A_121, %dma_start3A_123, %dma_start3A_124] : memref<3x128x128xf32, #tpu.memory_space<vmem>> -> memref<1x128x128xf32, #tpu.memory_space<vmem>>
      %dma_start3A_126 = tpu.memref_squeeze %dma_start3A_125 : memref<1x128x128xf32, #tpu.memory_space<vmem>> -> memref<128x128xf32, #tpu.memory_space<vmem>>
      %dma_start3A_127 = arith.constant 0 : i32
      %dma_start3A_128 = tpu.memref_slice %arg7[%dma_start3A_122, %dma_start3A_127] : memref<1x128xi32, #tpu.memory_space<vmem>> -> memref<1x128xi32, #tpu.memory_space<vmem>>
      %dma_start3A_129 = tpu.memref_squeeze %dma_start3A_128 : memref<1x128xi32, #tpu.memory_space<vmem>> -> memref<128xi32, #tpu.memory_space<vmem>>
      %dma_start3A_130 = arith.constant 0 : i32
      %dma_start3A_131 = arith.constant 0 : i32
      %dma_start3A_132 = tpu.memref_slice %arg9[%dma_start3A_130, %dma_start3A_131] : memref<2048x128xf32, #tpu.memory_space<vmem_shared>> -> memref<2048x128xf32, #tpu.memory_space<vmem_shared>>
      tpu.enqueue_indirect_dma source(%dma_start3A_126 : memref<128x128xf32, #tpu.memory_space<vmem>>) target(%dma_start3A_132 : memref<2048x128xf32, #tpu.memory_space<vmem_shared>>) offsets(%dma_start3A_129 : memref<128xi32, #tpu.memory_space<vmem>>) semaphore(%arg13 : memref<!tpu.dma_semaphore, #tpu.memory_space<semaphore_mem>>) {add = true}
      %dma_wait3A_133 = arith.constant 0 : i32
      %dma_wait3A_134 = arith.constant 0 : i32
      %dma_wait3A_135 = arith.constant 0 : i32
      %dma_wait3A_136 = arith.constant 0 : i32
      %dma_wait3A_137 = tpu.memref_slice %arg8[%dma_wait3A_133, %dma_wait3A_135, %dma_wait3A_136] : memref<3x128x128xf32, #tpu.memory_space<vmem>> -> memref<1x128x128xf32, #tpu.memory_space<vmem>>
      %dma_wait3A_138 = tpu.memref_squeeze %dma_wait3A_137 : memref<1x128x128xf32, #tpu.memory_space<vmem>> -> memref<128x128xf32, #tpu.memory_space<vmem>>
      %dma_wait3A_139 = arith.constant 0 : i32
      %dma_wait3A_140 = tpu.memref_slice %arg7[%dma_wait3A_134, %dma_wait3A_139] : memref<1x128xi32, #tpu.memory_space<vmem>> -> memref<1x128xi32, #tpu.memory_space<vmem>>
      %dma_wait3A_141 = tpu.memref_squeeze %dma_wait3A_140 : memref<1x128xi32, #tpu.memory_space<vmem>> -> memref<128xi32, #tpu.memory_space<vmem>>
      %dma_wait3A_142 = arith.constant 0 : i32
      %dma_wait3A_143 = arith.constant 0 : i32
      %dma_wait3A_144 = tpu.memref_slice %arg9[%dma_wait3A_142, %dma_wait3A_143] : memref<2048x128xf32, #tpu.memory_space<vmem_shared>> -> memref<2048x128xf32, #tpu.memory_space<vmem_shared>>
      tpu.wait_indirect_dma semaphore(%arg13 : memref<!tpu.dma_semaphore, #tpu.memory_space<semaphore_mem>>) src(%dma_wait3A_138 : memref<128x128xf32, #tpu.memory_space<vmem>>) dst(%dma_wait3A_144 : memref<2048x128xf32, #tpu.memory_space<vmem_shared>>)
      %dma_wait3A_145 = arith.constant 0 : i32
      %dma_wait3A_146 = arith.constant 0 : i32
      %dma_wait3A_147 = arith.constant 1 : i32
      %dma_wait3A_148 = arith.constant 0 : i32
      %dma_wait3A_149 = arith.constant 0 : i32
      %dma_wait3A_150 = tpu.memref_slice %arg8[%dma_wait3A_147, %dma_wait3A_148, %dma_wait3A_149] : memref<3x128x128xf32, #tpu.memory_space<vmem>> -> memref<1x128x128xf32, #tpu.memory_space<vmem>>
      %dma_wait3A_151 = tpu.memref_squeeze %dma_wait3A_150 : memref<1x128x128xf32, #tpu.memory_space<vmem>> -> memref<128x128xf32, #tpu.memory_space<vmem>>
      %dma_wait3A_152 = arith.constant 0 : i32
      %dma_wait3A_153 = tpu.memref_slice %arg6[%dma_wait3A_145, %dma_wait3A_146, %dma_wait3A_152] : memref<2x16x128xi32, #tpu.memory_space<vmem>> -> memref<1x1x128xi32, #tpu.memory_space<vmem>>
      %dma_wait3A_154 = tpu.memref_squeeze %dma_wait3A_153 : memref<1x1x128xi32, #tpu.memory_space<vmem>> -> memref<128xi32, #tpu.memory_space<vmem>>
      %dma_wait3A_155 = arith.constant 0 : i32
      %dma_wait3A_156 = arith.constant 0 : i32
      %dma_wait3A_157 = tpu.memref_slice %arg2[%dma_wait3A_155, %dma_wait3A_156] : memref<20000x128xf32, #tpu.memory_space<hbm>> -> memref<20000x128xf32, #tpu.memory_space<hbm>>
      tpu.wait_indirect_dma semaphore(%arg11 : memref<!tpu.dma_semaphore, #tpu.memory_space<semaphore_mem>>) src(%dma_wait3A_157 : memref<20000x128xf32, #tpu.memory_space<hbm>>) dst(%dma_wait3A_151 : memref<128x128xf32, #tpu.memory_space<vmem>>)
      %dma_start3A_158 = arith.constant 1 : i32
      %dma_start3A_159 = arith.constant 0 : i32
      %dma_start3A_160 = arith.constant 0 : i32
      %dma_start3A_161 = arith.constant 0 : i32
      %dma_start3A_162 = tpu.memref_slice %arg8[%dma_start3A_158, %dma_start3A_160, %dma_start3A_161] : memref<3x128x128xf32, #tpu.memory_space<vmem>> -> memref<1x128x128xf32, #tpu.memory_space<vmem>>
      %dma_start3A_163 = tpu.memref_squeeze %dma_start3A_162 : memref<1x128x128xf32, #tpu.memory_space<vmem>> -> memref<128x128xf32, #tpu.memory_space<vmem>>
      %dma_start3A_164 = arith.constant 0 : i32
      %dma_start3A_165 = tpu.memref_slice %arg7[%dma_start3A_159, %dma_start3A_164] : memref<1x128xi32, #tpu.memory_space<vmem>> -> memref<1x128xi32, #tpu.memory_space<vmem>>
      %dma_start3A_166 = tpu.memref_squeeze %dma_start3A_165 : memref<1x128xi32, #tpu.memory_space<vmem>> -> memref<128xi32, #tpu.memory_space<vmem>>
      %dma_start3A_167 = arith.constant 0 : i32
      %dma_start3A_168 = arith.constant 0 : i32
      %dma_start3A_169 = tpu.memref_slice %arg9[%dma_start3A_167, %dma_start3A_168] : memref<2048x128xf32, #tpu.memory_space<vmem_shared>> -> memref<2048x128xf32, #tpu.memory_space<vmem_shared>>
      tpu.enqueue_indirect_dma source(%dma_start3A_163 : memref<128x128xf32, #tpu.memory_space<vmem>>) target(%dma_start3A_169 : memref<2048x128xf32, #tpu.memory_space<vmem_shared>>) offsets(%dma_start3A_166 : memref<128xi32, #tpu.memory_space<vmem>>) semaphore(%arg14 : memref<!tpu.dma_semaphore, #tpu.memory_space<semaphore_mem>>) {add = true}
      %dma_wait3A_170 = arith.constant 1 : i32
      %dma_wait3A_171 = arith.constant 0 : i32
      %dma_wait3A_172 = arith.constant 0 : i32
      %dma_wait3A_173 = arith.constant 0 : i32
      %dma_wait3A_174 = tpu.memref_slice %arg8[%dma_wait3A_170, %dma_wait3A_172, %dma_wait3A_173] : memref<3x128x128xf32, #tpu.memory_space<vmem>> -> memref<1x128x128xf32, #tpu.memory_space<vmem>>
      %dma_wait3A_175 = tpu.memref_squeeze %dma_wait3A_174 : memref<1x128x128xf32, #tpu.memory_space<vmem>> -> memref<128x128xf32, #tpu.memory_space<vmem>>
      %dma_wait3A_176 = arith.constant 0 : i32
      %dma_wait3A_177 = tpu.memref_slice %arg7[%dma_wait3A_171, %dma_wait3A_176] : memref<1x128xi32, #tpu.memory_space<vmem>> -> memref<1x128xi32, #tpu.memory_space<vmem>>
      %dma_wait3A_178 = tpu.memref_squeeze %dma_wait3A_177 : memref<1x128xi32, #tpu.memory_space<vmem>> -> memref<128xi32, #tpu.memory_space<vmem>>
      %dma_wait3A_179 = arith.constant 0 : i32
      %dma_wait3A_180 = arith.constant 0 : i32
      %dma_wait3A_181 = tpu.memref_slice %arg9[%dma_wait3A_179, %dma_wait3A_180] : memref<2048x128xf32, #tpu.memory_space<vmem_shared>> -> memref<2048x128xf32, #tpu.memory_space<vmem_shared>>
      tpu.wait_indirect_dma semaphore(%arg14 : memref<!tpu.dma_semaphore, #tpu.memory_space<semaphore_mem>>) src(%dma_wait3A_175 : memref<128x128xf32, #tpu.memory_space<vmem>>) dst(%dma_wait3A_181 : memref<2048x128xf32, #tpu.memory_space<vmem_shared>>)
      %dma_wait3A_182 = arith.constant 0 : i32
      %dma_wait3A_183 = arith.constant 0 : i32
      %dma_wait3A_184 = arith.constant 2 : i32
      %dma_wait3A_185 = arith.constant 0 : i32
      %dma_wait3A_186 = arith.constant 0 : i32
      %dma_wait3A_187 = tpu.memref_slice %arg8[%dma_wait3A_184, %dma_wait3A_185, %dma_wait3A_186] : memref<3x128x128xf32, #tpu.memory_space<vmem>> -> memref<1x128x128xf32, #tpu.memory_space<vmem>>
      %dma_wait3A_188 = tpu.memref_squeeze %dma_wait3A_187 : memref<1x128x128xf32, #tpu.memory_space<vmem>> -> memref<128x128xf32, #tpu.memory_space<vmem>>
      %dma_wait3A_189 = arith.constant 0 : i32
      %dma_wait3A_190 = tpu.memref_slice %arg6[%dma_wait3A_182, %dma_wait3A_183, %dma_wait3A_189] : memref<2x16x128xi32, #tpu.memory_space<vmem>> -> memref<1x1x128xi32, #tpu.memory_space<vmem>>
      %dma_wait3A_191 = tpu.memref_squeeze %dma_wait3A_190 : memref<1x1x128xi32, #tpu.memory_space<vmem>> -> memref<128xi32, #tpu.memory_space<vmem>>
      %dma_wait3A_192 = arith.constant 0 : i32
      %dma_wait3A_193 = arith.constant 0 : i32
      %dma_wait3A_194 = tpu.memref_slice %arg2[%dma_wait3A_192, %dma_wait3A_193] : memref<20000x128xf32, #tpu.memory_space<hbm>> -> memref<20000x128xf32, #tpu.memory_space<hbm>>
      tpu.wait_indirect_dma semaphore(%arg12 : memref<!tpu.dma_semaphore, #tpu.memory_space<semaphore_mem>>) src(%dma_wait3A_194 : memref<20000x128xf32, #tpu.memory_space<hbm>>) dst(%dma_wait3A_188 : memref<128x128xf32, #tpu.memory_space<vmem>>)
      %dma_start3A_195 = arith.constant 2 : i32
      %dma_start3A_196 = arith.constant 0 : i32
      %dma_start3A_197 = arith.constant 0 : i32
      %dma_start3A_198 = arith.constant 0 : i32
      %dma_start3A_199 = tpu.memref_slice %arg8[%dma_start3A_195, %dma_start3A_197, %dma_start3A_198] : memref<3x128x128xf32, #tpu.memory_space<vmem>> -> memref<1x128x128xf32, #tpu.memory_space<vmem>>
      %dma_start3A_200 = tpu.memref_squeeze %dma_start3A_199 : memref<1x128x128xf32, #tpu.memory_space<vmem>> -> memref<128x128xf32, #tpu.memory_space<vmem>>
      %dma_start3A_201 = arith.constant 0 : i32
      %dma_start3A_202 = tpu.memref_slice %arg7[%dma_start3A_196, %dma_start3A_201] : memref<1x128xi32, #tpu.memory_space<vmem>> -> memref<1x128xi32, #tpu.memory_space<vmem>>
      %dma_start3A_203 = tpu.memref_squeeze %dma_start3A_202 : memref<1x128xi32, #tpu.memory_space<vmem>> -> memref<128xi32, #tpu.memory_space<vmem>>
      %dma_start3A_204 = arith.constant 0 : i32
      %dma_start3A_205 = arith.constant 0 : i32
      %dma_start3A_206 = tpu.memref_slice %arg9[%dma_start3A_204, %dma_start3A_205] : memref<2048x128xf32, #tpu.memory_space<vmem_shared>> -> memref<2048x128xf32, #tpu.memory_space<vmem_shared>>
      tpu.enqueue_indirect_dma source(%dma_start3A_200 : memref<128x128xf32, #tpu.memory_space<vmem>>) target(%dma_start3A_206 : memref<2048x128xf32, #tpu.memory_space<vmem_shared>>) offsets(%dma_start3A_203 : memref<128xi32, #tpu.memory_space<vmem>>) semaphore(%arg15 : memref<!tpu.dma_semaphore, #tpu.memory_space<semaphore_mem>>) {add = true}
      %dma_wait3A_207 = arith.constant 2 : i32
      %dma_wait3A_208 = arith.constant 0 : i32
      %dma_wait3A_209 = arith.constant 0 : i32
      %dma_wait3A_210 = arith.constant 0 : i32
      %dma_wait3A_211 = tpu.memref_slice %arg8[%dma_wait3A_207, %dma_wait3A_209, %dma_wait3A_210] : memref<3x128x128xf32, #tpu.memory_space<vmem>> -> memref<1x128x128xf32, #tpu.memory_space<vmem>>
      %dma_wait3A_212 = tpu.memref_squeeze %dma_wait3A_211 : memref<1x128x128xf32, #tpu.memory_space<vmem>> -> memref<128x128xf32, #tpu.memory_space<vmem>>
      %dma_wait3A_213 = arith.constant 0 : i32
      %dma_wait3A_214 = tpu.memref_slice %arg7[%dma_wait3A_208, %dma_wait3A_213] : memref<1x128xi32, #tpu.memory_space<vmem>> -> memref<1x128xi32, #tpu.memory_space<vmem>>
      %dma_wait3A_215 = tpu.memref_squeeze %dma_wait3A_214 : memref<1x128xi32, #tpu.memory_space<vmem>> -> memref<128xi32, #tpu.memory_space<vmem>>
      %dma_wait3A_216 = arith.constant 0 : i32
      %dma_wait3A_217 = arith.constant 0 : i32
      %dma_wait3A_218 = tpu.memref_slice %arg9[%dma_wait3A_216, %dma_wait3A_217] : memref<2048x128xf32, #tpu.memory_space<vmem_shared>> -> memref<2048x128xf32, #tpu.memory_space<vmem_shared>>
      tpu.wait_indirect_dma semaphore(%arg15 : memref<!tpu.dma_semaphore, #tpu.memory_space<semaphore_mem>>) src(%dma_wait3A_212 : memref<128x128xf32, #tpu.memory_space<vmem>>) dst(%dma_wait3A_218 : memref<2048x128xf32, #tpu.memory_space<vmem_shared>>)
      "tpu.region"() ({
        %run_scoped3A_219 = tpu.sem_alloc : memref<!tpu.dma_semaphore, #tpu.memory_space<semaphore_mem>>
        %dma_start3A_220 = arith.constant 0 : i32
        %dma_start3A_221 = tpu.memref_slice %arg5[%add3A_35, %dma_start3A_220] : memref<20480x128xf32, #tpu.memory_space<hbm>> -> memref<128x128xf32, #tpu.memory_space<hbm>>
        %dma_start3A_222 = arith.constant 0 : i32
        %dma_start3A_223 = tpu.memref_slice %arg9[%mul3A_10, %dma_start3A_222] : memref<2048x128xf32, #tpu.memory_space<vmem_shared>> -> memref<128x128xf32, #tpu.memory_space<vmem_shared>>
        tpu.enqueue_dma source(%dma_start3A_223 : memref<128x128xf32, #tpu.memory_space<vmem_shared>>) target(%dma_start3A_221 : memref<128x128xf32, #tpu.memory_space<hbm>>) target_semaphore(%run_scoped3A_219 : memref<!tpu.dma_semaphore, #tpu.memory_space<semaphore_mem>>)
        %dma_wait3A_224 = arith.constant 0 : i32
        %dma_wait3A_225 = tpu.memref_slice %arg5[%add3A_35, %dma_wait3A_224] : memref<20480x128xf32, #tpu.memory_space<hbm>> -> memref<128x128xf32, #tpu.memory_space<hbm>>
        %dma_wait3A_226 = arith.constant 0 : i32
        %dma_wait3A_227 = tpu.memref_slice %arg9[%mul3A_10, %dma_wait3A_226] : memref<2048x128xf32, #tpu.memory_space<vmem_shared>> -> memref<128x128xf32, #tpu.memory_space<vmem_shared>>
        tpu.wait_dma2 semaphore(%run_scoped3A_219 : memref<!tpu.dma_semaphore, #tpu.memory_space<semaphore_mem>>) src(%dma_wait3A_227 : memref<128x128xf32, #tpu.memory_space<vmem_shared>>) dst(%dma_wait3A_225 : memref<128x128xf32, #tpu.memory_space<hbm>>)
        tpu.yield
      }) : () -> ()
    }
    %while3A_19 = arith.constant 1 : i32
    scf.for %while3A_20 = %while3A_17 to %while3A_13 step %while3A_19  : i32 {
      %jit3A_21 = arith.constant 2 : i32
      %eq3A_22 = arith.constant 0 : i32
      %eq3A_23 = arith.cmpi eq, %jit3A_21, %eq3A_22 : i32
      %jit3A_24 = arith.constant 1 : i32
      %select_n3A_25 = arith.select %eq3A_23, %jit3A_24, %jit3A_21 : i32
      %rem3A = arith.remsi %while3A_20, %select_n3A_25 : i32
      %ne3A = arith.constant 0 : i32
      %ne3A_26 = arith.cmpi ne, %rem3A, %ne3A : i32
      %lt3A = arith.constant 0 : i32
      %lt3A_27 = arith.cmpi slt, %rem3A, %lt3A : i32
      %lt3A_28 = arith.constant 0 : i32
      %lt3A_29 = arith.cmpi slt, %select_n3A_25, %lt3A_28 : i32
      %ne3A_30 = arith.xori %lt3A_27, %lt3A_29 : i1
      %and3A = arith.andi %ne3A_30, %ne3A_26 : i1
      %add3A_31 = arith.addi %rem3A, %select_n3A_25 : i32
      %select_n3A_32 = arith.select %and3A, %add3A_31, %rem3A : i32
      %mul3A_33 = arith.constant 128 : i32
      %mul3A_34 = arith.muli %while3A_20, %mul3A_33 : i32
      %add3A_35 = arith.addi %select_n3A, %mul3A_34 : i32
      %gt3A = arith.constant 0 : i32
      %gt3A_36 = arith.cmpi sgt, %while3A_20, %gt3A : i32
      %convert_element_type3A = arith.extui %gt3A_36 : i1 to i32
      %cond3A = arith.constant 0 : i32
      %cond3A_37 = arith.cmpi ne, %convert_element_type3A, %cond3A : i32
      scf.if %cond3A_37 {
        %dma_wait3A_219 = arith.constant 0 : i32
        %dma_wait3A_220 = arith.constant 0 : i32
        %dma_wait3A_221 = tpu.memref_slice %arg6[%select_n3A_32, %dma_wait3A_219, %dma_wait3A_220] : memref<2x16x128xi32, #tpu.memory_space<vmem>> -> memref<1x16x128xi32, #tpu.memory_space<vmem>>
        %dma_wait3A_222 = tpu.memref_squeeze %dma_wait3A_221 : memref<1x16x128xi32, #tpu.memory_space<vmem>> -> memref<16x128xi32, #tpu.memory_space<vmem>>
        %dma_wait3A_223 = arith.constant 0 : i32
        %dma_wait3A_224 = tpu.memref_slice %arg3[%dma_wait3A_223, %select_n3A] : memref<16x20480xi32, #tpu.memory_space<hbm>> -> memref<16x128xi32, #tpu.memory_space<hbm>>
        %dma_wait3A_225 = arith.constant 0 : i32
        %dma_wait3A_226 = arith.constant 0 : i32
        %dma_wait3A_227 = tpu.memref_slice %arg6[%select_n3A_32, %dma_wait3A_225, %dma_wait3A_226] : memref<2x16x128xi32, #tpu.memory_space<vmem>> -> memref<1x16x128xi32, #tpu.memory_space<vmem>>
        %dma_wait3A_228 = tpu.memref_squeeze %dma_wait3A_227 : memref<1x16x128xi32, #tpu.memory_space<vmem>> -> memref<16x128xi32, #tpu.memory_space<vmem>>
        %dma_wait3A_229 = arith.constant 0 : i32
        %dma_wait3A_230 = tpu.memref_slice %arg3[%dma_wait3A_229, %select_n3A] : memref<16x20480xi32, #tpu.memory_space<hbm>> -> memref<16x128xi32, #tpu.memory_space<hbm>>
        tpu.wait_dma2 semaphore(%arg16 : memref<!tpu.dma_semaphore, #tpu.memory_space<semaphore_mem>>) src(%dma_wait3A_230 : memref<16x128xi32, #tpu.memory_space<hbm>>) dst(%dma_wait3A_228 : memref<16x128xi32, #tpu.memory_space<vmem>>)
      } else {
      }
      %add3A_38 = arith.constant 1 : i32
      %add3A_39 = arith.addi %while3A_20, %add3A_38 : i32
      %lt3A_40 = arith.cmpi slt, %add3A_39, %select_n3A_8 : i32
      %convert_element_type3A_41 = arith.extui %lt3A_40 : i1 to i32
      %cond3A_42 = arith.constant 0 : i32
      %cond3A_43 = arith.cmpi ne, %convert_element_type3A_41, %cond3A_42 : i32
      scf.if %cond3A_43 {
        %add3A_219 = arith.constant 128 : i32
        %add3A_220 = arith.addi %add3A_35, %add3A_219 : i32
        %sub3A = arith.constant 1 : i32
        %sub3A_221 = arith.subi %sub3A, %select_n3A_32 : i32
        %dma_start3A_222 = arith.constant 0 : i32
        %dma_start3A_223 = arith.constant 0 : i32
        %dma_start3A_224 = tpu.memref_slice %arg6[%sub3A_221, %dma_start3A_222, %dma_start3A_223] : memref<2x16x128xi32, #tpu.memory_space<vmem>> -> memref<1x16x128xi32, #tpu.memory_space<vmem>>
        %dma_start3A_225 = tpu.memref_squeeze %dma_start3A_224 : memref<1x16x128xi32, #tpu.memory_space<vmem>> -> memref<16x128xi32, #tpu.memory_space<vmem>>
        %dma_start3A_226 = arith.constant 0 : i32
        %dma_start3A_227 = tpu.memref_slice %arg3[%dma_start3A_226, %add3A_220] : memref<16x20480xi32, #tpu.memory_space<hbm>> -> memref<16x128xi32, #tpu.memory_space<hbm>>
        %dma_start3A_228 = arith.constant 0 : i32
        %dma_start3A_229 = arith.constant 0 : i32
        %dma_start3A_230 = tpu.memref_slice %arg6[%sub3A_221, %dma_start3A_228, %dma_start3A_229] : memref<2x16x128xi32, #tpu.memory_space<vmem>> -> memref<1x16x128xi32, #tpu.memory_space<vmem>>
        %dma_start3A_231 = tpu.memref_squeeze %dma_start3A_230 : memref<1x16x128xi32, #tpu.memory_space<vmem>> -> memref<16x128xi32, #tpu.memory_space<vmem>>
        %dma_start3A_232 = arith.constant 0 : i32
        %dma_start3A_233 = tpu.memref_slice %arg3[%dma_start3A_232, %add3A_220] : memref<16x20480xi32, #tpu.memory_space<hbm>> -> memref<16x128xi32, #tpu.memory_space<hbm>>
        tpu.enqueue_dma source(%dma_start3A_233 : memref<16x128xi32, #tpu.memory_space<hbm>>) target(%dma_start3A_231 : memref<16x128xi32, #tpu.memory_space<vmem>>) target_semaphore(%arg16 : memref<!tpu.dma_semaphore, #tpu.memory_space<semaphore_mem>>)
      } else {
      }
      %dma_start3A = arith.constant 0 : i32
      %dma_start3A_44 = arith.constant 0 : i32
      %dma_start3A_45 = arith.constant 0 : i32
      %dma_start3A_46 = arith.constant 0 : i32
      %dma_start3A_47 = tpu.memref_slice %arg8[%dma_start3A_44, %dma_start3A_45, %dma_start3A_46] : memref<3x128x128xf32, #tpu.memory_space<vmem>> -> memref<1x128x128xf32, #tpu.memory_space<vmem>>
      %dma_start3A_48 = tpu.memref_squeeze %dma_start3A_47 : memref<1x128x128xf32, #tpu.memory_space<vmem>> -> memref<128x128xf32, #tpu.memory_space<vmem>>
      %dma_start3A_49 = arith.constant 0 : i32
      %dma_start3A_50 = tpu.memref_slice %arg6[%select_n3A_32, %dma_start3A, %dma_start3A_49] : memref<2x16x128xi32, #tpu.memory_space<vmem>> -> memref<1x1x128xi32, #tpu.memory_space<vmem>>
      %dma_start3A_51 = tpu.memref_squeeze %dma_start3A_50 : memref<1x1x128xi32, #tpu.memory_space<vmem>> -> memref<128xi32, #tpu.memory_space<vmem>>
      %dma_start3A_52 = arith.constant 0 : i32
      %dma_start3A_53 = arith.constant 0 : i32
      %dma_start3A_54 = tpu.memref_slice %arg2[%dma_start3A_52, %dma_start3A_53] : memref<20000x128xf32, #tpu.memory_space<hbm>> -> memref<20000x128xf32, #tpu.memory_space<hbm>>
      tpu.enqueue_indirect_dma source(%dma_start3A_54 : memref<20000x128xf32, #tpu.memory_space<hbm>>) target(%dma_start3A_48 : memref<128x128xf32, #tpu.memory_space<vmem>>) offsets(%dma_start3A_51 : memref<128xi32, #tpu.memory_space<vmem>>) semaphore(%arg10 : memref<!tpu.dma_semaphore, #tpu.memory_space<semaphore_mem>>)
      %dma_wait3A = arith.constant 0 : i32
      %dma_wait3A_55 = arith.constant 0 : i32
      %dma_wait3A_56 = arith.constant 0 : i32
      %dma_wait3A_57 = arith.constant 0 : i32
      %dma_wait3A_58 = tpu.memref_slice %arg8[%dma_wait3A_55, %dma_wait3A_56, %dma_wait3A_57] : memref<3x128x128xf32, #tpu.memory_space<vmem>> -> memref<1x128x128xf32, #tpu.memory_space<vmem>>
      %dma_wait3A_59 = tpu.memref_squeeze %dma_wait3A_58 : memref<1x128x128xf32, #tpu.memory_space<vmem>> -> memref<128x128xf32, #tpu.memory_space<vmem>>
      %dma_wait3A_60 = arith.constant 0 : i32
      %dma_wait3A_61 = tpu.memref_slice %arg6[%select_n3A_32, %dma_wait3A, %dma_wait3A_60] : memref<2x16x128xi32, #tpu.memory_space<vmem>> -> memref<1x1x128xi32, #tpu.memory_space<vmem>>
      %dma_wait3A_62 = tpu.memref_squeeze %dma_wait3A_61 : memref<1x1x128xi32, #tpu.memory_space<vmem>> -> memref<128xi32, #tpu.memory_space<vmem>>
      %dma_wait3A_63 = arith.constant 0 : i32
      %dma_wait3A_64 = arith.constant 0 : i32
      %dma_wait3A_65 = tpu.memref_slice %arg2[%dma_wait3A_63, %dma_wait3A_64] : memref<20000x128xf32, #tpu.memory_space<hbm>> -> memref<20000x128xf32, #tpu.memory_space<hbm>>
      tpu.wait_indirect_dma semaphore(%arg10 : memref<!tpu.dma_semaphore, #tpu.memory_space<semaphore_mem>>) src(%dma_wait3A_65 : memref<20000x128xf32, #tpu.memory_space<hbm>>) dst(%dma_wait3A_59 : memref<128x128xf32, #tpu.memory_space<vmem>>)
      %run_scoped3A_66 = arith.constant 0 : i32
      "tpu.region"() ({
        %run_scoped3A_219 = tpu.sem_alloc : memref<!tpu.dma_semaphore, #tpu.memory_space<semaphore_mem>>
        %dma_start3A_220 = arith.constant 0 : i32
        %dma_start3A_221 = arith.constant 0 : i32
        %dma_start3A_222 = tpu.memref_slice %arg8[%run_scoped3A_66, %dma_start3A_220, %dma_start3A_221] : memref<3x128x128xf32, #tpu.memory_space<vmem>> -> memref<1x128x128xf32, #tpu.memory_space<vmem>>
        %dma_start3A_223 = tpu.memref_squeeze %dma_start3A_222 : memref<1x128x128xf32, #tpu.memory_space<vmem>> -> memref<128x128xf32, #tpu.memory_space<vmem>>
        %dma_start3A_224 = arith.constant 0 : i32
        %dma_start3A_225 = tpu.memref_slice %arg9[%mul3A_10, %dma_start3A_224] : memref<2048x128xf32, #tpu.memory_space<vmem_shared>> -> memref<128x128xf32, #tpu.memory_space<vmem_shared>>
        %dma_start3A_226 = arith.constant 0 : i32
        %dma_start3A_227 = tpu.memref_slice %arg9[%mul3A_10, %dma_start3A_226] : memref<2048x128xf32, #tpu.memory_space<vmem_shared>> -> memref<128x128xf32, #tpu.memory_space<vmem_shared>>
        %dma_start3A_228 = arith.constant 0 : i32
        %dma_start3A_229 = arith.constant 0 : i32
        %dma_start3A_230 = tpu.memref_slice %arg8[%run_scoped3A_66, %dma_start3A_228, %dma_start3A_229] : memref<3x128x128xf32, #tpu.memory_space<vmem>> -> memref<1x128x128xf32, #tpu.memory_space<vmem>>
        %dma_start3A_231 = tpu.memref_squeeze %dma_start3A_230 : memref<1x128x128xf32, #tpu.memory_space<vmem>> -> memref<128x128xf32, #tpu.memory_space<vmem>>
        tpu.enqueue_dma source(%dma_start3A_231 : memref<128x128xf32, #tpu.memory_space<vmem>>) target(%dma_start3A_227 : memref<128x128xf32, #tpu.memory_space<vmem_shared>>) target_semaphore(%run_scoped3A_219 : memref<!tpu.dma_semaphore, #tpu.memory_space<semaphore_mem>>)
        %dma_wait3A_232 = arith.constant 0 : i32
        %dma_wait3A_233 = arith.constant 0 : i32
        %dma_wait3A_234 = tpu.memref_slice %arg8[%run_scoped3A_66, %dma_wait3A_232, %dma_wait3A_233] : memref<3x128x128xf32, #tpu.memory_space<vmem>> -> memref<1x128x128xf32, #tpu.memory_space<vmem>>
        %dma_wait3A_235 = tpu.memref_squeeze %dma_wait3A_234 : memref<1x128x128xf32, #tpu.memory_space<vmem>> -> memref<128x128xf32, #tpu.memory_space<vmem>>
        %dma_wait3A_236 = arith.constant 0 : i32
        %dma_wait3A_237 = tpu.memref_slice %arg9[%mul3A_10, %dma_wait3A_236] : memref<2048x128xf32, #tpu.memory_space<vmem_shared>> -> memref<128x128xf32, #tpu.memory_space<vmem_shared>>
        %dma_wait3A_238 = arith.constant 0 : i32
        %dma_wait3A_239 = tpu.memref_slice %arg9[%mul3A_10, %dma_wait3A_238] : memref<2048x128xf32, #tpu.memory_space<vmem_shared>> -> memref<128x128xf32, #tpu.memory_space<vmem_shared>>
        %dma_wait3A_240 = arith.constant 0 : i32
        %dma_wait3A_241 = arith.constant 0 : i32
        %dma_wait3A_242 = tpu.memref_slice %arg8[%run_scoped3A_66, %dma_wait3A_240, %dma_wait3A_241] : memref<3x128x128xf32, #tpu.memory_space<vmem>> -> memref<1x128x128xf32, #tpu.memory_space<vmem>>
        %dma_wait3A_243 = tpu.memref_squeeze %dma_wait3A_242 : memref<1x128x128xf32, #tpu.memory_space<vmem>> -> memref<128x128xf32, #tpu.memory_space<vmem>>
        tpu.wait_dma2 semaphore(%run_scoped3A_219 : memref<!tpu.dma_semaphore, #tpu.memory_space<semaphore_mem>>) src(%dma_wait3A_243 : memref<128x128xf32, #tpu.memory_space<vmem>>) dst(%dma_wait3A_239 : memref<128x128xf32, #tpu.memory_space<vmem_shared>>)
        tpu.yield
      }) : () -> ()
      %dma_start3A_67 = arith.constant 1 : i32
      %dma_start3A_68 = arith.constant 0 : i32
      %dma_start3A_69 = arith.constant 0 : i32
      %dma_start3A_70 = arith.constant 0 : i32
      %dma_start3A_71 = tpu.memref_slice %arg8[%dma_start3A_68, %dma_start3A_69, %dma_start3A_70] : memref<3x128x128xf32, #tpu.memory_space<vmem>> -> memref<1x128x128xf32, #tpu.memory_space<vmem>>
      %dma_start3A_72 = tpu.memref_squeeze %dma_start3A_71 : memref<1x128x128xf32, #tpu.memory_space<vmem>> -> memref<128x128xf32, #tpu.memory_space<vmem>>
      %dma_start3A_73 = arith.constant 0 : i32
      %dma_start3A_74 = tpu.memref_slice %arg6[%select_n3A_32, %dma_start3A_67, %dma_start3A_73] : memref<2x16x128xi32, #tpu.memory_space<vmem>> -> memref<1x1x128xi32, #tpu.memory_space<vmem>>
      %dma_start3A_75 = tpu.memref_squeeze %dma_start3A_74 : memref<1x1x128xi32, #tpu.memory_space<vmem>> -> memref<128xi32, #tpu.memory_space<vmem>>
      %dma_start3A_76 = arith.constant 0 : i32
      %dma_start3A_77 = arith.constant 0 : i32
      %dma_start3A_78 = tpu.memref_slice %arg2[%dma_start3A_76, %dma_start3A_77] : memref<20000x128xf32, #tpu.memory_space<hbm>> -> memref<20000x128xf32, #tpu.memory_space<hbm>>
      tpu.enqueue_indirect_dma source(%dma_start3A_78 : memref<20000x128xf32, #tpu.memory_space<hbm>>) target(%dma_start3A_72 : memref<128x128xf32, #tpu.memory_space<vmem>>) offsets(%dma_start3A_75 : memref<128xi32, #tpu.memory_space<vmem>>) semaphore(%arg10 : memref<!tpu.dma_semaphore, #tpu.memory_space<semaphore_mem>>)
      %dma_start3A_79 = arith.constant 2 : i32
      %dma_start3A_80 = arith.constant 1 : i32
      %dma_start3A_81 = arith.constant 0 : i32
      %dma_start3A_82 = arith.constant 0 : i32
      %dma_start3A_83 = tpu.memref_slice %arg8[%dma_start3A_80, %dma_start3A_81, %dma_start3A_82] : memref<3x128x128xf32, #tpu.memory_space<vmem>> -> memref<1x128x128xf32, #tpu.memory_space<vmem>>
      %dma_start3A_84 = tpu.memref_squeeze %dma_start3A_83 : memref<1x128x128xf32, #tpu.memory_space<vmem>> -> memref<128x128xf32, #tpu.memory_space<vmem>>
      %dma_start3A_85 = arith.constant 0 : i32
      %dma_start3A_86 = tpu.memref_slice %arg6[%select_n3A_32, %dma_start3A_79, %dma_start3A_85] : memref<2x16x128xi32, #tpu.memory_space<vmem>> -> memref<1x1x128xi32, #tpu.memory_space<vmem>>
      %dma_start3A_87 = tpu.memref_squeeze %dma_start3A_86 : memref<1x1x128xi32, #tpu.memory_space<vmem>> -> memref<128xi32, #tpu.memory_space<vmem>>
      %dma_start3A_88 = arith.constant 0 : i32
      %dma_start3A_89 = arith.constant 0 : i32
      %dma_start3A_90 = tpu.memref_slice %arg2[%dma_start3A_88, %dma_start3A_89] : memref<20000x128xf32, #tpu.memory_space<hbm>> -> memref<20000x128xf32, #tpu.memory_space<hbm>>
      tpu.enqueue_indirect_dma source(%dma_start3A_90 : memref<20000x128xf32, #tpu.memory_space<hbm>>) target(%dma_start3A_84 : memref<128x128xf32, #tpu.memory_space<vmem>>) offsets(%dma_start3A_87 : memref<128xi32, #tpu.memory_space<vmem>>) semaphore(%arg11 : memref<!tpu.dma_semaphore, #tpu.memory_space<semaphore_mem>>)
      %dma_start3A_91 = arith.constant 3 : i32
      %dma_start3A_92 = arith.constant 2 : i32
      %dma_start3A_93 = arith.constant 0 : i32
      %dma_start3A_94 = arith.constant 0 : i32
      %dma_start3A_95 = tpu.memref_slice %arg8[%dma_start3A_92, %dma_start3A_93, %dma_start3A_94] : memref<3x128x128xf32, #tpu.memory_space<vmem>> -> memref<1x128x128xf32, #tpu.memory_space<vmem>>
      %dma_start3A_96 = tpu.memref_squeeze %dma_start3A_95 : memref<1x128x128xf32, #tpu.memory_space<vmem>> -> memref<128x128xf32, #tpu.memory_space<vmem>>
      %dma_start3A_97 = arith.constant 0 : i32
      %dma_start3A_98 = tpu.memref_slice %arg6[%select_n3A_32, %dma_start3A_91, %dma_start3A_97] : memref<2x16x128xi32, #tpu.memory_space<vmem>> -> memref<1x1x128xi32, #tpu.memory_space<vmem>>
      %dma_start3A_99 = tpu.memref_squeeze %dma_start3A_98 : memref<1x1x128xi32, #tpu.memory_space<vmem>> -> memref<128xi32, #tpu.memory_space<vmem>>
      %dma_start3A_100 = arith.constant 0 : i32
      %dma_start3A_101 = arith.constant 0 : i32
      %dma_start3A_102 = tpu.memref_slice %arg2[%dma_start3A_100, %dma_start3A_101] : memref<20000x128xf32, #tpu.memory_space<hbm>> -> memref<20000x128xf32, #tpu.memory_space<hbm>>
      tpu.enqueue_indirect_dma source(%dma_start3A_102 : memref<20000x128xf32, #tpu.memory_space<hbm>>) target(%dma_start3A_96 : memref<128x128xf32, #tpu.memory_space<vmem>>) offsets(%dma_start3A_99 : memref<128xi32, #tpu.memory_space<vmem>>) semaphore(%arg12 : memref<!tpu.dma_semaphore, #tpu.memory_space<semaphore_mem>>)
      %scan3A = arith.constant 0 : i32
      %scan3A_103 = arith.constant 0 : i32
      %scan3A_104 = arith.constant 4 : i32
      %scan3A_105 = arith.addi %scan3A_103, %scan3A_104 : i32
      %scan3A_106 = arith.constant 1 : i32
      scf.for %scan3A_219 = %scan3A_103 to %scan3A_105 step %scan3A_106  : i32 {
        %mul3A_220 = arith.constant 3 : i32
        %mul3A_221 = arith.muli %mul3A_220, %scan3A_219 : i32
        %add3A_222 = arith.constant 0 : i32
        %add3A_223 = arith.addi %mul3A_221, %add3A_222 : i32
        %add3A_224 = arith.constant 1 : i32
        %add3A_225 = arith.addi %add3A_223, %add3A_224 : i32
        %dma_wait3A_226 = arith.constant 0 : i32
        %dma_wait3A_227 = arith.constant 0 : i32
        %dma_wait3A_228 = arith.constant 0 : i32
        %dma_wait3A_229 = arith.constant 0 : i32
        %dma_wait3A_230 = arith.constant 0 : i32
        %dma_wait3A_231 = tpu.memref_slice %arg8[%dma_wait3A_228, %dma_wait3A_229, %dma_wait3A_230] : memref<3x128x128xf32, #tpu.memory_space<vmem>> -> memref<1x128x128xf32, #tpu.memory_space<vmem>>
        %dma_wait3A_232 = tpu.memref_squeeze %dma_wait3A_231 : memref<1x128x128xf32, #tpu.memory_space<vmem>> -> memref<128x128xf32, #tpu.memory_space<vmem>>
        %dma_wait3A_233 = arith.constant 0 : i32
        %dma_wait3A_234 = tpu.memref_slice %arg6[%dma_wait3A_226, %dma_wait3A_227, %dma_wait3A_233] : memref<2x16x128xi32, #tpu.memory_space<vmem>> -> memref<1x1x128xi32, #tpu.memory_space<vmem>>
        %dma_wait3A_235 = tpu.memref_squeeze %dma_wait3A_234 : memref<1x1x128xi32, #tpu.memory_space<vmem>> -> memref<128xi32, #tpu.memory_space<vmem>>
        %dma_wait3A_236 = arith.constant 0 : i32
        %dma_wait3A_237 = arith.constant 0 : i32
        %dma_wait3A_238 = tpu.memref_slice %arg2[%dma_wait3A_236, %dma_wait3A_237] : memref<20000x128xf32, #tpu.memory_space<hbm>> -> memref<20000x128xf32, #tpu.memory_space<hbm>>
        tpu.wait_indirect_dma semaphore(%arg10 : memref<!tpu.dma_semaphore, #tpu.memory_space<semaphore_mem>>) src(%dma_wait3A_238 : memref<20000x128xf32, #tpu.memory_space<hbm>>) dst(%dma_wait3A_232 : memref<128x128xf32, #tpu.memory_space<vmem>>)
        %dma_start3A_239 = arith.constant 0 : i32
        %dma_start3A_240 = arith.constant 0 : i32
        %dma_start3A_241 = arith.constant 0 : i32
        %dma_start3A_242 = arith.constant 0 : i32
        %dma_start3A_243 = tpu.memref_slice %arg8[%dma_start3A_239, %dma_start3A_241, %dma_start3A_242] : memref<3x128x128xf32, #tpu.memory_space<vmem>> -> memref<1x128x128xf32, #tpu.memory_space<vmem>>
        %dma_start3A_244 = tpu.memref_squeeze %dma_start3A_243 : memref<1x128x128xf32, #tpu.memory_space<vmem>> -> memref<128x128xf32, #tpu.memory_space<vmem>>
        %dma_start3A_245 = arith.constant 0 : i32
        %dma_start3A_246 = tpu.memref_slice %arg7[%dma_start3A_240, %dma_start3A_245] : memref<1x128xi32, #tpu.memory_space<vmem>> -> memref<1x128xi32, #tpu.memory_space<vmem>>
        %dma_start3A_247 = tpu.memref_squeeze %dma_start3A_246 : memref<1x128xi32, #tpu.memory_space<vmem>> -> memref<128xi32, #tpu.memory_space<vmem>>
        %dma_start3A_248 = arith.constant 0 : i32
        %dma_start3A_249 = arith.constant 0 : i32
        %dma_start3A_250 = tpu.memref_slice %arg9[%dma_start3A_248, %dma_start3A_249] : memref<2048x128xf32, #tpu.memory_space<vmem_shared>> -> memref<2048x128xf32, #tpu.memory_space<vmem_shared>>
        tpu.enqueue_indirect_dma source(%dma_start3A_244 : memref<128x128xf32, #tpu.memory_space<vmem>>) target(%dma_start3A_250 : memref<2048x128xf32, #tpu.memory_space<vmem_shared>>) offsets(%dma_start3A_247 : memref<128xi32, #tpu.memory_space<vmem>>) semaphore(%arg13 : memref<!tpu.dma_semaphore, #tpu.memory_space<semaphore_mem>>) {add = true}
        %dma_wait3A_251 = arith.constant 0 : i32
        %dma_wait3A_252 = arith.constant 0 : i32
        %dma_wait3A_253 = arith.constant 0 : i32
        %dma_wait3A_254 = arith.constant 0 : i32
        %dma_wait3A_255 = tpu.memref_slice %arg8[%dma_wait3A_251, %dma_wait3A_253, %dma_wait3A_254] : memref<3x128x128xf32, #tpu.memory_space<vmem>> -> memref<1x128x128xf32, #tpu.memory_space<vmem>>
        %dma_wait3A_256 = tpu.memref_squeeze %dma_wait3A_255 : memref<1x128x128xf32, #tpu.memory_space<vmem>> -> memref<128x128xf32, #tpu.memory_space<vmem>>
        %dma_wait3A_257 = arith.constant 0 : i32
        %dma_wait3A_258 = tpu.memref_slice %arg7[%dma_wait3A_252, %dma_wait3A_257] : memref<1x128xi32, #tpu.memory_space<vmem>> -> memref<1x128xi32, #tpu.memory_space<vmem>>
        %dma_wait3A_259 = tpu.memref_squeeze %dma_wait3A_258 : memref<1x128xi32, #tpu.memory_space<vmem>> -> memref<128xi32, #tpu.memory_space<vmem>>
        %dma_wait3A_260 = arith.constant 0 : i32
        %dma_wait3A_261 = arith.constant 0 : i32
        %dma_wait3A_262 = tpu.memref_slice %arg9[%dma_wait3A_260, %dma_wait3A_261] : memref<2048x128xf32, #tpu.memory_space<vmem_shared>> -> memref<2048x128xf32, #tpu.memory_space<vmem_shared>>
        tpu.wait_indirect_dma semaphore(%arg13 : memref<!tpu.dma_semaphore, #tpu.memory_space<semaphore_mem>>) src(%dma_wait3A_256 : memref<128x128xf32, #tpu.memory_space<vmem>>) dst(%dma_wait3A_262 : memref<2048x128xf32, #tpu.memory_space<vmem_shared>>)
        %add3A_263 = arith.constant 3 : i32
        %add3A_264 = arith.addi %add3A_225, %add3A_263 : i32
        %dma_start3A_265 = arith.constant 0 : i32
        %dma_start3A_266 = arith.constant 0 : i32
        %dma_start3A_267 = arith.constant 0 : i32
        %dma_start3A_268 = tpu.memref_slice %arg8[%dma_start3A_265, %dma_start3A_266, %dma_start3A_267] : memref<3x128x128xf32, #tpu.memory_space<vmem>> -> memref<1x128x128xf32, #tpu.memory_space<vmem>>
        %dma_start3A_269 = tpu.memref_squeeze %dma_start3A_268 : memref<1x128x128xf32, #tpu.memory_space<vmem>> -> memref<128x128xf32, #tpu.memory_space<vmem>>
        %dma_start3A_270 = arith.constant 0 : i32
        %dma_start3A_271 = tpu.memref_slice %arg6[%select_n3A_32, %add3A_264, %dma_start3A_270] : memref<2x16x128xi32, #tpu.memory_space<vmem>> -> memref<1x1x128xi32, #tpu.memory_space<vmem>>
        %dma_start3A_272 = tpu.memref_squeeze %dma_start3A_271 : memref<1x1x128xi32, #tpu.memory_space<vmem>> -> memref<128xi32, #tpu.memory_space<vmem>>
        %dma_start3A_273 = arith.constant 0 : i32
        %dma_start3A_274 = arith.constant 0 : i32
        %dma_start3A_275 = tpu.memref_slice %arg2[%dma_start3A_273, %dma_start3A_274] : memref<20000x128xf32, #tpu.memory_space<hbm>> -> memref<20000x128xf32, #tpu.memory_space<hbm>>
        tpu.enqueue_indirect_dma source(%dma_start3A_275 : memref<20000x128xf32, #tpu.memory_space<hbm>>) target(%dma_start3A_269 : memref<128x128xf32, #tpu.memory_space<vmem>>) offsets(%dma_start3A_272 : memref<128xi32, #tpu.memory_space<vmem>>) semaphore(%arg10 : memref<!tpu.dma_semaphore, #tpu.memory_space<semaphore_mem>>)
        %mul3A_276 = arith.constant 3 : i32
        %mul3A_277 = arith.muli %mul3A_276, %scan3A_219 : i32
        %add3A_278 = arith.constant 1 : i32
        %add3A_279 = arith.addi %mul3A_277, %add3A_278 : i32
        %add3A_280 = arith.constant 1 : i32
        %add3A_281 = arith.addi %add3A_279, %add3A_280 : i32
        %dma_wait3A_282 = arith.constant 0 : i32
        %dma_wait3A_283 = arith.constant 0 : i32
        %dma_wait3A_284 = arith.constant 1 : i32
        %dma_wait3A_285 = arith.constant 0 : i32
        %dma_wait3A_286 = arith.constant 0 : i32
        %dma_wait3A_287 = tpu.memref_slice %arg8[%dma_wait3A_284, %dma_wait3A_285, %dma_wait3A_286] : memref<3x128x128xf32, #tpu.memory_space<vmem>> -> memref<1x128x128xf32, #tpu.memory_space<vmem>>
        %dma_wait3A_288 = tpu.memref_squeeze %dma_wait3A_287 : memref<1x128x128xf32, #tpu.memory_space<vmem>> -> memref<128x128xf32, #tpu.memory_space<vmem>>
        %dma_wait3A_289 = arith.constant 0 : i32
        %dma_wait3A_290 = tpu.memref_slice %arg6[%dma_wait3A_282, %dma_wait3A_283, %dma_wait3A_289] : memref<2x16x128xi32, #tpu.memory_space<vmem>> -> memref<1x1x128xi32, #tpu.memory_space<vmem>>
        %dma_wait3A_291 = tpu.memref_squeeze %dma_wait3A_290 : memref<1x1x128xi32, #tpu.memory_space<vmem>> -> memref<128xi32, #tpu.memory_space<vmem>>
        %dma_wait3A_292 = arith.constant 0 : i32
        %dma_wait3A_293 = arith.constant 0 : i32
        %dma_wait3A_294 = tpu.memref_slice %arg2[%dma_wait3A_292, %dma_wait3A_293] : memref<20000x128xf32, #tpu.memory_space<hbm>> -> memref<20000x128xf32, #tpu.memory_space<hbm>>
        tpu.wait_indirect_dma semaphore(%arg11 : memref<!tpu.dma_semaphore, #tpu.memory_space<semaphore_mem>>) src(%dma_wait3A_294 : memref<20000x128xf32, #tpu.memory_space<hbm>>) dst(%dma_wait3A_288 : memref<128x128xf32, #tpu.memory_space<vmem>>)
        %dma_start3A_295 = arith.constant 1 : i32
        %dma_start3A_296 = arith.constant 0 : i32
        %dma_start3A_297 = arith.constant 0 : i32
        %dma_start3A_298 = arith.constant 0 : i32
        %dma_start3A_299 = tpu.memref_slice %arg8[%dma_start3A_295, %dma_start3A_297, %dma_start3A_298] : memref<3x128x128xf32, #tpu.memory_space<vmem>> -> memref<1x128x128xf32, #tpu.memory_space<vmem>>
        %dma_start3A_300 = tpu.memref_squeeze %dma_start3A_299 : memref<1x128x128xf32, #tpu.memory_space<vmem>> -> memref<128x128xf32, #tpu.memory_space<vmem>>
        %dma_start3A_301 = arith.constant 0 : i32
        %dma_start3A_302 = tpu.memref_slice %arg7[%dma_start3A_296, %dma_start3A_301] : memref<1x128xi32, #tpu.memory_space<vmem>> -> memref<1x128xi32, #tpu.memory_space<vmem>>
        %dma_start3A_303 = tpu.memref_squeeze %dma_start3A_302 : memref<1x128xi32, #tpu.memory_space<vmem>> -> memref<128xi32, #tpu.memory_space<vmem>>
        %dma_start3A_304 = arith.constant 0 : i32
        %dma_start3A_305 = arith.constant 0 : i32
        %dma_start3A_306 = tpu.memref_slice %arg9[%dma_start3A_304, %dma_start3A_305] : memref<2048x128xf32, #tpu.memory_space<vmem_shared>> -> memref<2048x128xf32, #tpu.memory_space<vmem_shared>>
        tpu.enqueue_indirect_dma source(%dma_start3A_300 : memref<128x128xf32, #tpu.memory_space<vmem>>) target(%dma_start3A_306 : memref<2048x128xf32, #tpu.memory_space<vmem_shared>>) offsets(%dma_start3A_303 : memref<128xi32, #tpu.memory_space<vmem>>) semaphore(%arg14 : memref<!tpu.dma_semaphore, #tpu.memory_space<semaphore_mem>>) {add = true}
        %dma_wait3A_307 = arith.constant 1 : i32
        %dma_wait3A_308 = arith.constant 0 : i32
        %dma_wait3A_309 = arith.constant 0 : i32
        %dma_wait3A_310 = arith.constant 0 : i32
        %dma_wait3A_311 = tpu.memref_slice %arg8[%dma_wait3A_307, %dma_wait3A_309, %dma_wait3A_310] : memref<3x128x128xf32, #tpu.memory_space<vmem>> -> memref<1x128x128xf32, #tpu.memory_space<vmem>>
        %dma_wait3A_312 = tpu.memref_squeeze %dma_wait3A_311 : memref<1x128x128xf32, #tpu.memory_space<vmem>> -> memref<128x128xf32, #tpu.memory_space<vmem>>
        %dma_wait3A_313 = arith.constant 0 : i32
        %dma_wait3A_314 = tpu.memref_slice %arg7[%dma_wait3A_308, %dma_wait3A_313] : memref<1x128xi32, #tpu.memory_space<vmem>> -> memref<1x128xi32, #tpu.memory_space<vmem>>
        %dma_wait3A_315 = tpu.memref_squeeze %dma_wait3A_314 : memref<1x128xi32, #tpu.memory_space<vmem>> -> memref<128xi32, #tpu.memory_space<vmem>>
        %dma_wait3A_316 = arith.constant 0 : i32
        %dma_wait3A_317 = arith.constant 0 : i32
        %dma_wait3A_318 = tpu.memref_slice %arg9[%dma_wait3A_316, %dma_wait3A_317] : memref<2048x128xf32, #tpu.memory_space<vmem_shared>> -> memref<2048x128xf32, #tpu.memory_space<vmem_shared>>
        tpu.wait_indirect_dma semaphore(%arg14 : memref<!tpu.dma_semaphore, #tpu.memory_space<semaphore_mem>>) src(%dma_wait3A_312 : memref<128x128xf32, #tpu.memory_space<vmem>>) dst(%dma_wait3A_318 : memref<2048x128xf32, #tpu.memory_space<vmem_shared>>)
        %add3A_319 = arith.constant 3 : i32
        %add3A_320 = arith.addi %add3A_281, %add3A_319 : i32
        %dma_start3A_321 = arith.constant 1 : i32
        %dma_start3A_322 = arith.constant 0 : i32
        %dma_start3A_323 = arith.constant 0 : i32
        %dma_start3A_324 = tpu.memref_slice %arg8[%dma_start3A_321, %dma_start3A_322, %dma_start3A_323] : memref<3x128x128xf32, #tpu.memory_space<vmem>> -> memref<1x128x128xf32, #tpu.memory_space<vmem>>
        %dma_start3A_325 = tpu.memref_squeeze %dma_start3A_324 : memref<1x128x128xf32, #tpu.memory_space<vmem>> -> memref<128x128xf32, #tpu.memory_space<vmem>>
        %dma_start3A_326 = arith.constant 0 : i32
        %dma_start3A_327 = tpu.memref_slice %arg6[%select_n3A_32, %add3A_320, %dma_start3A_326] : memref<2x16x128xi32, #tpu.memory_space<vmem>> -> memref<1x1x128xi32, #tpu.memory_space<vmem>>
        %dma_start3A_328 = tpu.memref_squeeze %dma_start3A_327 : memref<1x1x128xi32, #tpu.memory_space<vmem>> -> memref<128xi32, #tpu.memory_space<vmem>>
        %dma_start3A_329 = arith.constant 0 : i32
        %dma_start3A_330 = arith.constant 0 : i32
        %dma_start3A_331 = tpu.memref_slice %arg2[%dma_start3A_329, %dma_start3A_330] : memref<20000x128xf32, #tpu.memory_space<hbm>> -> memref<20000x128xf32, #tpu.memory_space<hbm>>
        tpu.enqueue_indirect_dma source(%dma_start3A_331 : memref<20000x128xf32, #tpu.memory_space<hbm>>) target(%dma_start3A_325 : memref<128x128xf32, #tpu.memory_space<vmem>>) offsets(%dma_start3A_328 : memref<128xi32, #tpu.memory_space<vmem>>) semaphore(%arg11 : memref<!tpu.dma_semaphore, #tpu.memory_space<semaphore_mem>>)
        %mul3A_332 = arith.constant 3 : i32
        %mul3A_333 = arith.muli %mul3A_332, %scan3A_219 : i32
        %add3A_334 = arith.constant 2 : i32
        %add3A_335 = arith.addi %mul3A_333, %add3A_334 : i32
        %add3A_336 = arith.constant 1 : i32
        %add3A_337 = arith.addi %add3A_335, %add3A_336 : i32
        %dma_wait3A_338 = arith.constant 0 : i32
        %dma_wait3A_339 = arith.constant 0 : i32
        %dma_wait3A_340 = arith.constant 2 : i32
        %dma_wait3A_341 = arith.constant 0 : i32
        %dma_wait3A_342 = arith.constant 0 : i32
        %dma_wait3A_343 = tpu.memref_slice %arg8[%dma_wait3A_340, %dma_wait3A_341, %dma_wait3A_342] : memref<3x128x128xf32, #tpu.memory_space<vmem>> -> memref<1x128x128xf32, #tpu.memory_space<vmem>>
        %dma_wait3A_344 = tpu.memref_squeeze %dma_wait3A_343 : memref<1x128x128xf32, #tpu.memory_space<vmem>> -> memref<128x128xf32, #tpu.memory_space<vmem>>
        %dma_wait3A_345 = arith.constant 0 : i32
        %dma_wait3A_346 = tpu.memref_slice %arg6[%dma_wait3A_338, %dma_wait3A_339, %dma_wait3A_345] : memref<2x16x128xi32, #tpu.memory_space<vmem>> -> memref<1x1x128xi32, #tpu.memory_space<vmem>>
        %dma_wait3A_347 = tpu.memref_squeeze %dma_wait3A_346 : memref<1x1x128xi32, #tpu.memory_space<vmem>> -> memref<128xi32, #tpu.memory_space<vmem>>
        %dma_wait3A_348 = arith.constant 0 : i32
        %dma_wait3A_349 = arith.constant 0 : i32
        %dma_wait3A_350 = tpu.memref_slice %arg2[%dma_wait3A_348, %dma_wait3A_349] : memref<20000x128xf32, #tpu.memory_space<hbm>> -> memref<20000x128xf32, #tpu.memory_space<hbm>>
        tpu.wait_indirect_dma semaphore(%arg12 : memref<!tpu.dma_semaphore, #tpu.memory_space<semaphore_mem>>) src(%dma_wait3A_350 : memref<20000x128xf32, #tpu.memory_space<hbm>>) dst(%dma_wait3A_344 : memref<128x128xf32, #tpu.memory_space<vmem>>)
        %dma_start3A_351 = arith.constant 2 : i32
        %dma_start3A_352 = arith.constant 0 : i32
        %dma_start3A_353 = arith.constant 0 : i32
        %dma_start3A_354 = arith.constant 0 : i32
        %dma_start3A_355 = tpu.memref_slice %arg8[%dma_start3A_351, %dma_start3A_353, %dma_start3A_354] : memref<3x128x128xf32, #tpu.memory_space<vmem>> -> memref<1x128x128xf32, #tpu.memory_space<vmem>>
        %dma_start3A_356 = tpu.memref_squeeze %dma_start3A_355 : memref<1x128x128xf32, #tpu.memory_space<vmem>> -> memref<128x128xf32, #tpu.memory_space<vmem>>
        %dma_start3A_357 = arith.constant 0 : i32
        %dma_start3A_358 = tpu.memref_slice %arg7[%dma_start3A_352, %dma_start3A_357] : memref<1x128xi32, #tpu.memory_space<vmem>> -> memref<1x128xi32, #tpu.memory_space<vmem>>
        %dma_start3A_359 = tpu.memref_squeeze %dma_start3A_358 : memref<1x128xi32, #tpu.memory_space<vmem>> -> memref<128xi32, #tpu.memory_space<vmem>>
        %dma_start3A_360 = arith.constant 0 : i32
        %dma_start3A_361 = arith.constant 0 : i32
        %dma_start3A_362 = tpu.memref_slice %arg9[%dma_start3A_360, %dma_start3A_361] : memref<2048x128xf32, #tpu.memory_space<vmem_shared>> -> memref<2048x128xf32, #tpu.memory_space<vmem_shared>>
        tpu.enqueue_indirect_dma source(%dma_start3A_356 : memref<128x128xf32, #tpu.memory_space<vmem>>) target(%dma_start3A_362 : memref<2048x128xf32, #tpu.memory_space<vmem_shared>>) offsets(%dma_start3A_359 : memref<128xi32, #tpu.memory_space<vmem>>) semaphore(%arg15 : memref<!tpu.dma_semaphore, #tpu.memory_space<semaphore_mem>>) {add = true}
        %dma_wait3A_363 = arith.constant 2 : i32
        %dma_wait3A_364 = arith.constant 0 : i32
        %dma_wait3A_365 = arith.constant 0 : i32
        %dma_wait3A_366 = arith.constant 0 : i32
        %dma_wait3A_367 = tpu.memref_slice %arg8[%dma_wait3A_363, %dma_wait3A_365, %dma_wait3A_366] : memref<3x128x128xf32, #tpu.memory_space<vmem>> -> memref<1x128x128xf32, #tpu.memory_space<vmem>>
        %dma_wait3A_368 = tpu.memref_squeeze %dma_wait3A_367 : memref<1x128x128xf32, #tpu.memory_space<vmem>> -> memref<128x128xf32, #tpu.memory_space<vmem>>
        %dma_wait3A_369 = arith.constant 0 : i32
        %dma_wait3A_370 = tpu.memref_slice %arg7[%dma_wait3A_364, %dma_wait3A_369] : memref<1x128xi32, #tpu.memory_space<vmem>> -> memref<1x128xi32, #tpu.memory_space<vmem>>
        %dma_wait3A_371 = tpu.memref_squeeze %dma_wait3A_370 : memref<1x128xi32, #tpu.memory_space<vmem>> -> memref<128xi32, #tpu.memory_space<vmem>>
        %dma_wait3A_372 = arith.constant 0 : i32
        %dma_wait3A_373 = arith.constant 0 : i32
        %dma_wait3A_374 = tpu.memref_slice %arg9[%dma_wait3A_372, %dma_wait3A_373] : memref<2048x128xf32, #tpu.memory_space<vmem_shared>> -> memref<2048x128xf32, #tpu.memory_space<vmem_shared>>
        tpu.wait_indirect_dma semaphore(%arg15 : memref<!tpu.dma_semaphore, #tpu.memory_space<semaphore_mem>>) src(%dma_wait3A_368 : memref<128x128xf32, #tpu.memory_space<vmem>>) dst(%dma_wait3A_374 : memref<2048x128xf32, #tpu.memory_space<vmem_shared>>)
        %add3A_375 = arith.constant 3 : i32
        %add3A_376 = arith.addi %add3A_337, %add3A_375 : i32
        %dma_start3A_377 = arith.constant 2 : i32
        %dma_start3A_378 = arith.constant 0 : i32
        %dma_start3A_379 = arith.constant 0 : i32
        %dma_start3A_380 = tpu.memref_slice %arg8[%dma_start3A_377, %dma_start3A_378, %dma_start3A_379] : memref<3x128x128xf32, #tpu.memory_space<vmem>> -> memref<1x128x128xf32, #tpu.memory_space<vmem>>
        %dma_start3A_381 = tpu.memref_squeeze %dma_start3A_380 : memref<1x128x128xf32, #tpu.memory_space<vmem>> -> memref<128x128xf32, #tpu.memory_space<vmem>>
        %dma_start3A_382 = arith.constant 0 : i32
        %dma_start3A_383 = tpu.memref_slice %arg6[%select_n3A_32, %add3A_376, %dma_start3A_382] : memref<2x16x128xi32, #tpu.memory_space<vmem>> -> memref<1x1x128xi32, #tpu.memory_space<vmem>>
        %dma_start3A_384 = tpu.memref_squeeze %dma_start3A_383 : memref<1x1x128xi32, #tpu.memory_space<vmem>> -> memref<128xi32, #tpu.memory_space<vmem>>
        %dma_start3A_385 = arith.constant 0 : i32
        %dma_start3A_386 = arith.constant 0 : i32
        %dma_start3A_387 = tpu.memref_slice %arg2[%dma_start3A_385, %dma_start3A_386] : memref<20000x128xf32, #tpu.memory_space<hbm>> -> memref<20000x128xf32, #tpu.memory_space<hbm>>
        tpu.enqueue_indirect_dma source(%dma_start3A_387 : memref<20000x128xf32, #tpu.memory_space<hbm>>) target(%dma_start3A_381 : memref<128x128xf32, #tpu.memory_space<vmem>>) offsets(%dma_start3A_384 : memref<128xi32, #tpu.memory_space<vmem>>) semaphore(%arg12 : memref<!tpu.dma_semaphore, #tpu.memory_space<semaphore_mem>>)
      }
      %scan3A_107 = arith.constant 4 : i32
      %dma_wait3A_108 = arith.constant 0 : i32
      %dma_wait3A_109 = arith.constant 0 : i32
      %dma_wait3A_110 = arith.constant 0 : i32
      %dma_wait3A_111 = arith.constant 0 : i32
      %dma_wait3A_112 = arith.constant 0 : i32
      %dma_wait3A_113 = tpu.memref_slice %arg8[%dma_wait3A_110, %dma_wait3A_111, %dma_wait3A_112] : memref<3x128x128xf32, #tpu.memory_space<vmem>> -> memref<1x128x128xf32, #tpu.memory_space<vmem>>
      %dma_wait3A_114 = tpu.memref_squeeze %dma_wait3A_113 : memref<1x128x128xf32, #tpu.memory_space<vmem>> -> memref<128x128xf32, #tpu.memory_space<vmem>>
      %dma_wait3A_115 = arith.constant 0 : i32
      %dma_wait3A_116 = tpu.memref_slice %arg6[%dma_wait3A_108, %dma_wait3A_109, %dma_wait3A_115] : memref<2x16x128xi32, #tpu.memory_space<vmem>> -> memref<1x1x128xi32, #tpu.memory_space<vmem>>
      %dma_wait3A_117 = tpu.memref_squeeze %dma_wait3A_116 : memref<1x1x128xi32, #tpu.memory_space<vmem>> -> memref<128xi32, #tpu.memory_space<vmem>>
      %dma_wait3A_118 = arith.constant 0 : i32
      %dma_wait3A_119 = arith.constant 0 : i32
      %dma_wait3A_120 = tpu.memref_slice %arg2[%dma_wait3A_118, %dma_wait3A_119] : memref<20000x128xf32, #tpu.memory_space<hbm>> -> memref<20000x128xf32, #tpu.memory_space<hbm>>
      tpu.wait_indirect_dma semaphore(%arg10 : memref<!tpu.dma_semaphore, #tpu.memory_space<semaphore_mem>>) src(%dma_wait3A_120 : memref<20000x128xf32, #tpu.memory_space<hbm>>) dst(%dma_wait3A_114 : memref<128x128xf32, #tpu.memory_space<vmem>>)
      %dma_start3A_121 = arith.constant 0 : i32
      %dma_start3A_122 = arith.constant 0 : i32
      %dma_start3A_123 = arith.constant 0 : i32
      %dma_start3A_124 = arith.constant 0 : i32
      %dma_start3A_125 = tpu.memref_slice %arg8[%dma_start3A_121, %dma_start3A_123, %dma_start3A_124] : memref<3x128x128xf32, #tpu.memory_space<vmem>> -> memref<1x128x128xf32, #tpu.memory_space<vmem>>
      %dma_start3A_126 = tpu.memref_squeeze %dma_start3A_125 : memref<1x128x128xf32, #tpu.memory_space<vmem>> -> memref<128x128xf32, #tpu.memory_space<vmem>>
      %dma_start3A_127 = arith.constant 0 : i32
      %dma_start3A_128 = tpu.memref_slice %arg7[%dma_start3A_122, %dma_start3A_127] : memref<1x128xi32, #tpu.memory_space<vmem>> -> memref<1x128xi32, #tpu.memory_space<vmem>>
      %dma_start3A_129 = tpu.memref_squeeze %dma_start3A_128 : memref<1x128xi32, #tpu.memory_space<vmem>> -> memref<128xi32, #tpu.memory_space<vmem>>
      %dma_start3A_130 = arith.constant 0 : i32
      %dma_start3A_131 = arith.constant 0 : i32
      %dma_start3A_132 = tpu.memref_slice %arg9[%dma_start3A_130, %dma_start3A_131] : memref<2048x128xf32, #tpu.memory_space<vmem_shared>> -> memref<2048x128xf32, #tpu.memory_space<vmem_shared>>
      tpu.enqueue_indirect_dma source(%dma_start3A_126 : memref<128x128xf32, #tpu.memory_space<vmem>>) target(%dma_start3A_132 : memref<2048x128xf32, #tpu.memory_space<vmem_shared>>) offsets(%dma_start3A_129 : memref<128xi32, #tpu.memory_space<vmem>>) semaphore(%arg13 : memref<!tpu.dma_semaphore, #tpu.memory_space<semaphore_mem>>) {add = true}
      %dma_wait3A_133 = arith.constant 0 : i32
      %dma_wait3A_134 = arith.constant 0 : i32
      %dma_wait3A_135 = arith.constant 0 : i32
      %dma_wait3A_136 = arith.constant 0 : i32
      %dma_wait3A_137 = tpu.memref_slice %arg8[%dma_wait3A_133, %dma_wait3A_135, %dma_wait3A_136] : memref<3x128x128xf32, #tpu.memory_space<vmem>> -> memref<1x128x128xf32, #tpu.memory_space<vmem>>
      %dma_wait3A_138 = tpu.memref_squeeze %dma_wait3A_137 : memref<1x128x128xf32, #tpu.memory_space<vmem>> -> memref<128x128xf32, #tpu.memory_space<vmem>>
      %dma_wait3A_139 = arith.constant 0 : i32
      %dma_wait3A_140 = tpu.memref_slice %arg7[%dma_wait3A_134, %dma_wait3A_139] : memref<1x128xi32, #tpu.memory_space<vmem>> -> memref<1x128xi32, #tpu.memory_space<vmem>>
      %dma_wait3A_141 = tpu.memref_squeeze %dma_wait3A_140 : memref<1x128xi32, #tpu.memory_space<vmem>> -> memref<128xi32, #tpu.memory_space<vmem>>
      %dma_wait3A_142 = arith.constant 0 : i32
      %dma_wait3A_143 = arith.constant 0 : i32
      %dma_wait3A_144 = tpu.memref_slice %arg9[%dma_wait3A_142, %dma_wait3A_143] : memref<2048x128xf32, #tpu.memory_space<vmem_shared>> -> memref<2048x128xf32, #tpu.memory_space<vmem_shared>>
      tpu.wait_indirect_dma semaphore(%arg13 : memref<!tpu.dma_semaphore, #tpu.memory_space<semaphore_mem>>) src(%dma_wait3A_138 : memref<128x128xf32, #tpu.memory_space<vmem>>) dst(%dma_wait3A_144 : memref<2048x128xf32, #tpu.memory_space<vmem_shared>>)
      %dma_wait3A_145 = arith.constant 0 : i32
      %dma_wait3A_146 = arith.constant 0 : i32
      %dma_wait3A_147 = arith.constant 1 : i32
      %dma_wait3A_148 = arith.constant 0 : i32
      %dma_wait3A_149 = arith.constant 0 : i32
      %dma_wait3A_150 = tpu.memref_slice %arg8[%dma_wait3A_147, %dma_wait3A_148, %dma_wait3A_149] : memref<3x128x128xf32, #tpu.memory_space<vmem>> -> memref<1x128x128xf32, #tpu.memory_space<vmem>>
      %dma_wait3A_151 = tpu.memref_squeeze %dma_wait3A_150 : memref<1x128x128xf32, #tpu.memory_space<vmem>> -> memref<128x128xf32, #tpu.memory_space<vmem>>
      %dma_wait3A_152 = arith.constant 0 : i32
      %dma_wait3A_153 = tpu.memref_slice %arg6[%dma_wait3A_145, %dma_wait3A_146, %dma_wait3A_152] : memref<2x16x128xi32, #tpu.memory_space<vmem>> -> memref<1x1x128xi32, #tpu.memory_space<vmem>>
      %dma_wait3A_154 = tpu.memref_squeeze %dma_wait3A_153 : memref<1x1x128xi32, #tpu.memory_space<vmem>> -> memref<128xi32, #tpu.memory_space<vmem>>
      %dma_wait3A_155 = arith.constant 0 : i32
      %dma_wait3A_156 = arith.constant 0 : i32
      %dma_wait3A_157 = tpu.memref_slice %arg2[%dma_wait3A_155, %dma_wait3A_156] : memref<20000x128xf32, #tpu.memory_space<hbm>> -> memref<20000x128xf32, #tpu.memory_space<hbm>>
      tpu.wait_indirect_dma semaphore(%arg11 : memref<!tpu.dma_semaphore, #tpu.memory_space<semaphore_mem>>) src(%dma_wait3A_157 : memref<20000x128xf32, #tpu.memory_space<hbm>>) dst(%dma_wait3A_151 : memref<128x128xf32, #tpu.memory_space<vmem>>)
      %dma_start3A_158 = arith.constant 1 : i32
      %dma_start3A_159 = arith.constant 0 : i32
      %dma_start3A_160 = arith.constant 0 : i32
      %dma_start3A_161 = arith.constant 0 : i32
      %dma_start3A_162 = tpu.memref_slice %arg8[%dma_start3A_158, %dma_start3A_160, %dma_start3A_161] : memref<3x128x128xf32, #tpu.memory_space<vmem>> -> memref<1x128x128xf32, #tpu.memory_space<vmem>>
      %dma_start3A_163 = tpu.memref_squeeze %dma_start3A_162 : memref<1x128x128xf32, #tpu.memory_space<vmem>> -> memref<128x128xf32, #tpu.memory_space<vmem>>
      %dma_start3A_164 = arith.constant 0 : i32
      %dma_start3A_165 = tpu.memref_slice %arg7[%dma_start3A_159, %dma_start3A_164] : memref<1x128xi32, #tpu.memory_space<vmem>> -> memref<1x128xi32, #tpu.memory_space<vmem>>
      %dma_start3A_166 = tpu.memref_squeeze %dma_start3A_165 : memref<1x128xi32, #tpu.memory_space<vmem>> -> memref<128xi32, #tpu.memory_space<vmem>>
      %dma_start3A_167 = arith.constant 0 : i32
      %dma_start3A_168 = arith.constant 0 : i32
      %dma_start3A_169 = tpu.memref_slice %arg9[%dma_start3A_167, %dma_start3A_168] : memref<2048x128xf32, #tpu.memory_space<vmem_shared>> -> memref<2048x128xf32, #tpu.memory_space<vmem_shared>>
      tpu.enqueue_indirect_dma source(%dma_start3A_163 : memref<128x128xf32, #tpu.memory_space<vmem>>) target(%dma_start3A_169 : memref<2048x128xf32, #tpu.memory_space<vmem_shared>>) offsets(%dma_start3A_166 : memref<128xi32, #tpu.memory_space<vmem>>) semaphore(%arg14 : memref<!tpu.dma_semaphore, #tpu.memory_space<semaphore_mem>>) {add = true}
      %dma_wait3A_170 = arith.constant 1 : i32
      %dma_wait3A_171 = arith.constant 0 : i32
      %dma_wait3A_172 = arith.constant 0 : i32
      %dma_wait3A_173 = arith.constant 0 : i32
      %dma_wait3A_174 = tpu.memref_slice %arg8[%dma_wait3A_170, %dma_wait3A_172, %dma_wait3A_173] : memref<3x128x128xf32, #tpu.memory_space<vmem>> -> memref<1x128x128xf32, #tpu.memory_space<vmem>>
      %dma_wait3A_175 = tpu.memref_squeeze %dma_wait3A_174 : memref<1x128x128xf32, #tpu.memory_space<vmem>> -> memref<128x128xf32, #tpu.memory_space<vmem>>
      %dma_wait3A_176 = arith.constant 0 : i32
      %dma_wait3A_177 = tpu.memref_slice %arg7[%dma_wait3A_171, %dma_wait3A_176] : memref<1x128xi32, #tpu.memory_space<vmem>> -> memref<1x128xi32, #tpu.memory_space<vmem>>
      %dma_wait3A_178 = tpu.memref_squeeze %dma_wait3A_177 : memref<1x128xi32, #tpu.memory_space<vmem>> -> memref<128xi32, #tpu.memory_space<vmem>>
      %dma_wait3A_179 = arith.constant 0 : i32
      %dma_wait3A_180 = arith.constant 0 : i32
      %dma_wait3A_181 = tpu.memref_slice %arg9[%dma_wait3A_179, %dma_wait3A_180] : memref<2048x128xf32, #tpu.memory_space<vmem_shared>> -> memref<2048x128xf32, #tpu.memory_space<vmem_shared>>
      tpu.wait_indirect_dma semaphore(%arg14 : memref<!tpu.dma_semaphore, #tpu.memory_space<semaphore_mem>>) src(%dma_wait3A_175 : memref<128x128xf32, #tpu.memory_space<vmem>>) dst(%dma_wait3A_181 : memref<2048x128xf32, #tpu.memory_space<vmem_shared>>)
      %dma_wait3A_182 = arith.constant 0 : i32
      %dma_wait3A_183 = arith.constant 0 : i32
      %dma_wait3A_184 = arith.constant 2 : i32
      %dma_wait3A_185 = arith.constant 0 : i32
      %dma_wait3A_186 = arith.constant 0 : i32
      %dma_wait3A_187 = tpu.memref_slice %arg8[%dma_wait3A_184, %dma_wait3A_185, %dma_wait3A_186] : memref<3x128x128xf32, #tpu.memory_space<vmem>> -> memref<1x128x128xf32, #tpu.memory_space<vmem>>
      %dma_wait3A_188 = tpu.memref_squeeze %dma_wait3A_187 : memref<1x128x128xf32, #tpu.memory_space<vmem>> -> memref<128x128xf32, #tpu.memory_space<vmem>>
      %dma_wait3A_189 = arith.constant 0 : i32
      %dma_wait3A_190 = tpu.memref_slice %arg6[%dma_wait3A_182, %dma_wait3A_183, %dma_wait3A_189] : memref<2x16x128xi32, #tpu.memory_space<vmem>> -> memref<1x1x128xi32, #tpu.memory_space<vmem>>
      %dma_wait3A_191 = tpu.memref_squeeze %dma_wait3A_190 : memref<1x1x128xi32, #tpu.memory_space<vmem>> -> memref<128xi32, #tpu.memory_space<vmem>>
      %dma_wait3A_192 = arith.constant 0 : i32
      %dma_wait3A_193 = arith.constant 0 : i32
      %dma_wait3A_194 = tpu.memref_slice %arg2[%dma_wait3A_192, %dma_wait3A_193] : memref<20000x128xf32, #tpu.memory_space<hbm>> -> memref<20000x128xf32, #tpu.memory_space<hbm>>
      tpu.wait_indirect_dma semaphore(%arg12 : memref<!tpu.dma_semaphore, #tpu.memory_space<semaphore_mem>>) src(%dma_wait3A_194 : memref<20000x128xf32, #tpu.memory_space<hbm>>) dst(%dma_wait3A_188 : memref<128x128xf32, #tpu.memory_space<vmem>>)
      %dma_start3A_195 = arith.constant 2 : i32
      %dma_start3A_196 = arith.constant 0 : i32
      %dma_start3A_197 = arith.constant 0 : i32
      %dma_start3A_198 = arith.constant 0 : i32
      %dma_start3A_199 = tpu.memref_slice %arg8[%dma_start3A_195, %dma_start3A_197, %dma_start3A_198] : memref<3x128x128xf32, #tpu.memory_space<vmem>> -> memref<1x128x128xf32, #tpu.memory_space<vmem>>
      %dma_start3A_200 = tpu.memref_squeeze %dma_start3A_199 : memref<1x128x128xf32, #tpu.memory_space<vmem>> -> memref<128x128xf32, #tpu.memory_space<vmem>>
      %dma_start3A_201 = arith.constant 0 : i32
      %dma_start3A_202 = tpu.memref_slice %arg7[%dma_start3A_196, %dma_start3A_201] : memref<1x128xi32, #tpu.memory_space<vmem>> -> memref<1x128xi32, #tpu.memory_space<vmem>>
      %dma_start3A_203 = tpu.memref_squeeze %dma_start3A_202 : memref<1x128xi32, #tpu.memory_space<vmem>> -> memref<128xi32, #tpu.memory_space<vmem>>
      %dma_start3A_204 = arith.constant 0 : i32
      %dma_start3A_205 = arith.constant 0 : i32
      %dma_start3A_206 = tpu.memref_slice %arg9[%dma_start3A_204, %dma_start3A_205] : memref<2048x128xf32, #tpu.memory_space<vmem_shared>> -> memref<2048x128xf32, #tpu.memory_space<vmem_shared>>
      tpu.enqueue_indirect_dma source(%dma_start3A_200 : memref<128x128xf32, #tpu.memory_space<vmem>>) target(%dma_start3A_206 : memref<2048x128xf32, #tpu.memory_space<vmem_shared>>) offsets(%dma_start3A_203 : memref<128xi32, #tpu.memory_space<vmem>>) semaphore(%arg15 : memref<!tpu.dma_semaphore, #tpu.memory_space<semaphore_mem>>) {add = true}
      %dma_wait3A_207 = arith.constant 2 : i32
      %dma_wait3A_208 = arith.constant 0 : i32
      %dma_wait3A_209 = arith.constant 0 : i32
      %dma_wait3A_210 = arith.constant 0 : i32
      %dma_wait3A_211 = tpu.memref_slice %arg8[%dma_wait3A_207, %dma_wait3A_209, %dma_wait3A_210] : memref<3x128x128xf32, #tpu.memory_space<vmem>> -> memref<1x128x128xf32, #tpu.memory_space<vmem>>
      %dma_wait3A_212 = tpu.memref_squeeze %dma_wait3A_211 : memref<1x128x128xf32, #tpu.memory_space<vmem>> -> memref<128x128xf32, #tpu.memory_space<vmem>>
      %dma_wait3A_213 = arith.constant 0 : i32
      %dma_wait3A_214 = tpu.memref_slice %arg7[%dma_wait3A_208, %dma_wait3A_213] : memref<1x128xi32, #tpu.memory_space<vmem>> -> memref<1x128xi32, #tpu.memory_space<vmem>>
      %dma_wait3A_215 = tpu.memref_squeeze %dma_wait3A_214 : memref<1x128xi32, #tpu.memory_space<vmem>> -> memref<128xi32, #tpu.memory_space<vmem>>
      %dma_wait3A_216 = arith.constant 0 : i32
      %dma_wait3A_217 = arith.constant 0 : i32
      %dma_wait3A_218 = tpu.memref_slice %arg9[%dma_wait3A_216, %dma_wait3A_217] : memref<2048x128xf32, #tpu.memory_space<vmem_shared>> -> memref<2048x128xf32, #tpu.memory_space<vmem_shared>>
      tpu.wait_indirect_dma semaphore(%arg15 : memref<!tpu.dma_semaphore, #tpu.memory_space<semaphore_mem>>) src(%dma_wait3A_212 : memref<128x128xf32, #tpu.memory_space<vmem>>) dst(%dma_wait3A_218 : memref<2048x128xf32, #tpu.memory_space<vmem_shared>>)
      "tpu.region"() ({
        %run_scoped3A_219 = tpu.sem_alloc : memref<!tpu.dma_semaphore, #tpu.memory_space<semaphore_mem>>
        %dma_start3A_220 = arith.constant 0 : i32
        %dma_start3A_221 = tpu.memref_slice %arg5[%add3A_35, %dma_start3A_220] : memref<20480x128xf32, #tpu.memory_space<hbm>> -> memref<128x128xf32, #tpu.memory_space<hbm>>
        %dma_start3A_222 = arith.constant 0 : i32
        %dma_start3A_223 = tpu.memref_slice %arg9[%mul3A_10, %dma_start3A_222] : memref<2048x128xf32, #tpu.memory_space<vmem_shared>> -> memref<128x128xf32, #tpu.memory_space<vmem_shared>>
        tpu.enqueue_dma source(%dma_start3A_223 : memref<128x128xf32, #tpu.memory_space<vmem_shared>>) target(%dma_start3A_221 : memref<128x128xf32, #tpu.memory_space<hbm>>) target_semaphore(%run_scoped3A_219 : memref<!tpu.dma_semaphore, #tpu.memory_space<semaphore_mem>>)
        %dma_wait3A_224 = arith.constant 0 : i32
        %dma_wait3A_225 = tpu.memref_slice %arg5[%add3A_35, %dma_wait3A_224] : memref<20480x128xf32, #tpu.memory_space<hbm>> -> memref<128x128xf32, #tpu.memory_space<hbm>>
        %dma_wait3A_226 = arith.constant 0 : i32
        %dma_wait3A_227 = tpu.memref_slice %arg9[%mul3A_10, %dma_wait3A_226] : memref<2048x128xf32, #tpu.memory_space<vmem_shared>> -> memref<128x128xf32, #tpu.memory_space<vmem_shared>>
        tpu.wait_dma2 semaphore(%run_scoped3A_219 : memref<!tpu.dma_semaphore, #tpu.memory_space<semaphore_mem>>) src(%dma_wait3A_227 : memref<128x128xf32, #tpu.memory_space<vmem_shared>>) dst(%dma_wait3A_225 : memref<128x128xf32, #tpu.memory_space<hbm>>)
        tpu.yield
      }) : () -> ()
    }
    return
  }
}

module attributes {stable_mosaic.version = 14 : i64} {
  func.func @_p_body(%arg0: i32, %arg1: memref<1x1000x256xf32, #tpu.memory_space<vmem>>, %arg2: memref<256x16xf32, #tpu.memory_space<vmem>>, %arg3: memref<1x1x1000xf32, #tpu.memory_space<vmem>>) attributes {dimension_semantics = [#tpu.dimension_semantics<arbitrary>], iteration_bounds = array<i64: 20>, scalar_prefetch = 0 : i64, scratch_operands = 0 : i64, tpu.core_type = #tpu.core_type<tc>, window_params = [{transform_indices = @transform_0, window_bounds = array<i64: 1, 1000, 256>}, {pipeline_mode = #tpu.pipeline_mode<synchronous>, transform_indices = @transform_1, window_bounds = array<i64: 256, 16>}, {transform_indices = @transform_2, window_bounds = array<i64: 1, 1, 1000>}]} {
    %get3A = arith.constant 0 : index
    %get3A_0 = arith.constant 0 : index
    %get3A_1 = arith.constant 0 : index
    %get3A_2 = vector.load %arg1[%get3A, %get3A_0, %get3A_1] : memref<1x1000x256xf32, #tpu.memory_space<vmem>>, vector<1x1000x256xf32>
    %get3A_3 = vector.shape_cast %get3A_2 : vector<1x1000x256xf32> to vector<1000x256xf32>
    %mul3A = arith.mulf %get3A_3, %get3A_3 : vector<1000x256xf32>
    %get3A_4 = arith.constant 0 : index
    %get3A_5 = arith.constant 0 : index
    %get3A_6 = vector.load %arg2[%get3A_4, %get3A_5] : memref<256x16xf32, #tpu.memory_space<vmem>>, vector<256x16xf32>
    %dot_general3A = arith.constant dense<0.000000e+00> : vector<1000x16xf32>
    %dot_general3A_7 = tpu.matmul %mul3A, %get3A_6, %dot_general3A {dimension_numbers = #tpu.dot_dimension_numbers<[1], [0], [0], [1], [0, 0, 1, 1], [], []>, transpose_lhs_hint = false} : vector<1000x256xf32>, vector<256x16xf32>, vector<1000x16xf32> -> vector<1000x16xf32>
    %div3A = arith.constant 1.000000e+00 : f32
    %div3A_8 = vector.broadcast %div3A : f32 to vector<1000x16xf32>
    %div3A_9 = arith.divf %div3A_8, %dot_general3A_7 : vector<1000x16xf32>
    %reduce_sum3A = arith.constant dense<0.000000e+00> : vector<1000xf32>
    %reduce_sum3A_10 = vector.multi_reduction <add>, %div3A_9, %reduce_sum3A [1] : vector<1000x16xf32> to vector<1000xf32>
    %broadcast_in_dim3A = vector.shape_cast %reduce_sum3A_10 : vector<1000xf32> to vector<1000x1xf32>
    %max3A = arith.constant 9.99999996E-13 : f32
    %max3A_11 = vector.broadcast %max3A : f32 to vector<1000x1xf32>
    %max3A_12 = arith.maximumf %broadcast_in_dim3A, %max3A_11 : vector<1000x1xf32>
    %div3A_13 = vector.broadcast %max3A_12 : vector<1000x1xf32> to vector<1000x16xf32>
    %div3A_14 = arith.divf %div3A_9, %div3A_13 : vector<1000x16xf32>
    %slice3A = vector.extract_strided_slice %div3A_14 {offsets = [0, 0], sizes = [1000, 8], strides = [1, 1]} : vector<1000x16xf32> to vector<1000x8xf32>
    %slice3A_15 = vector.extract_strided_slice %div3A_14 {offsets = [0, 8], sizes = [1000, 8], strides = [1, 1]} : vector<1000x16xf32> to vector<1000x8xf32>
    %mul3A_16 = arith.mulf %slice3A, %slice3A_15 : vector<1000x8xf32>
    %slice3A_17 = vector.extract_strided_slice %mul3A_16 {offsets = [0, 0], sizes = [1000, 4], strides = [1, 1]} : vector<1000x8xf32> to vector<1000x4xf32>
    %slice3A_18 = vector.extract_strided_slice %mul3A_16 {offsets = [0, 4], sizes = [1000, 4], strides = [1, 1]} : vector<1000x8xf32> to vector<1000x4xf32>
    %mul3A_19 = arith.mulf %slice3A_17, %slice3A_18 : vector<1000x4xf32>
    %slice3A_20 = vector.extract_strided_slice %mul3A_19 {offsets = [0, 0], sizes = [1000, 2], strides = [1, 1]} : vector<1000x4xf32> to vector<1000x2xf32>
    %slice3A_21 = vector.extract_strided_slice %mul3A_19 {offsets = [0, 2], sizes = [1000, 2], strides = [1, 1]} : vector<1000x4xf32> to vector<1000x2xf32>
    %mul3A_22 = arith.mulf %slice3A_20, %slice3A_21 : vector<1000x2xf32>
    %slice3A_23 = vector.extract_strided_slice %mul3A_22 {offsets = [0, 0], sizes = [1000, 1], strides = [1, 1]} : vector<1000x2xf32> to vector<1000x1xf32>
    %squeeze3A = vector.shape_cast %slice3A_23 : vector<1000x1xf32> to vector<1000xf32>
    %slice3A_24 = vector.extract_strided_slice %mul3A_22 {offsets = [0, 1], sizes = [1000, 1], strides = [1, 1]} : vector<1000x2xf32> to vector<1000x1xf32>
    %squeeze3A_25 = vector.shape_cast %slice3A_24 : vector<1000x1xf32> to vector<1000xf32>
    %mul3A_26 = arith.mulf %squeeze3A, %squeeze3A_25 : vector<1000xf32>
    %reshape3A = vector.shape_cast %mul3A_26 : vector<1000xf32> to vector<1x1x1000xf32>
    %swap3A = arith.constant 0 : index
    %swap3A_27 = arith.constant 0 : index
    %swap3A_28 = arith.constant 0 : index
    %swap3A_29 = vector.load %arg3[%swap3A, %swap3A_27, %swap3A_28] : memref<1x1x1000xf32, #tpu.memory_space<vmem>>, vector<1x1x1000xf32>
    tpu.vector_store %arg3[%swap3A, %swap3A_27, %swap3A_28], %reshape3A {strides = array<i32>} : memref<1x1x1000xf32, #tpu.memory_space<vmem>>, vector<1x1x1000xf32>,
    return
  }
  func.func @transform_0(%arg0: i32) -> (i32, i32, i32) {
    %c0_i32 = arith.constant 0 : i32
    %c0_i32_0 = arith.constant 0 : i32
    %c0_i32_1 = arith.constant 0 : i32
    return %arg0, %c0_i32, %c0_i32_0 : i32, i32, i32
  }
  func.func @transform_1(%arg0: i32) -> (i32, i32) {
    %c0_i32 = arith.constant 0 : i32
    %c0_i32_0 = arith.constant 0 : i32
    %c0_i32_1 = arith.constant 0 : i32
    return %c0_i32, %c0_i32_0 : i32, i32
  }
  func.func @transform_2(%arg0: i32) -> (i32, i32, i32) {
    %c0_i32 = arith.constant 0 : i32
    %c0_i32_0 = arith.constant 0 : i32
    %c0_i32_1 = arith.constant 0 : i32
    return %arg0, %c0_i32, %c0_i32_0 : i32, i32, i32
  }
}

module attributes {stable_mosaic.version = 14 : i64} {
  func.func @_r_body(%arg0: memref<2x10000xf32, #tpu.memory_space<vmem>>, %arg1: memref<2x10000xf32, #tpu.memory_space<vmem>>) attributes {dimension_semantics = [], scalar_prefetch = 0 : i64, scratch_operands = 0 : i64, tpu.core_type = #tpu.core_type<tc>} {
    %get3A = arith.constant 0 : index
    %get3A_0 = arith.constant 0 : index
    %get3A_1 = vector.load %arg0[%get3A, %get3A_0] : memref<2x10000xf32, #tpu.memory_space<vmem>>, vector<2x10000xf32>
    %abs3A = math.absf %get3A_1 : vector<2x10000xf32>
    %reduce_sum3A = arith.constant dense<0.000000e+00> : vector<10000xf32>
    %reduce_sum3A_2 = vector.multi_reduction <add>, %abs3A, %reduce_sum3A [0] : vector<2x10000xf32> to vector<10000xf32>
    %broadcast_in_dim3A = vector.shape_cast %reduce_sum3A_2 : vector<10000xf32> to vector<1x10000xf32>
    %max3A = arith.constant 9.99999996E-13 : f32
    %max3A_3 = vector.broadcast %max3A : f32 to vector<1x10000xf32>
    %max3A_4 = arith.maximumf %broadcast_in_dim3A, %max3A_3 : vector<1x10000xf32>
    %div3A = vector.broadcast %max3A_4 : vector<1x10000xf32> to vector<2x10000xf32>
    %div3A_5 = arith.divf %get3A_1, %div3A : vector<2x10000xf32>
    %div3A_6 = arith.constant 1.000000e+00 : f32
    %div3A_7 = vector.broadcast %div3A_6 : f32 to vector<2x10000xf32>
    %div3A_8 = arith.divf %div3A_7, %div3A_5 : vector<2x10000xf32>
    %abs3A_9 = math.absf %div3A_8 : vector<2x10000xf32>
    %reduce_sum3A_10 = arith.constant dense<0.000000e+00> : vector<2xf32>
    %reduce_sum3A_11 = vector.multi_reduction <add>, %abs3A_9, %reduce_sum3A_10 [1] : vector<2x10000xf32> to vector<2xf32>
    %broadcast_in_dim3A_12 = vector.shape_cast %reduce_sum3A_11 : vector<2xf32> to vector<2x1xf32>
    %max3A_13 = arith.constant 9.99999996E-13 : f32
    %max3A_14 = vector.broadcast %max3A_13 : f32 to vector<2x1xf32>
    %max3A_15 = arith.maximumf %broadcast_in_dim3A_12, %max3A_14 : vector<2x1xf32>
    %div3A_16 = vector.broadcast %max3A_15 : vector<2x1xf32> to vector<2x10000xf32>
    %div3A_17 = arith.divf %div3A_8, %div3A_16 : vector<2x10000xf32>
    %swap3A = arith.constant 0 : index
    %swap3A_18 = arith.constant 0 : index
    %swap3A_19 = vector.load %arg1[%swap3A, %swap3A_18] : memref<2x10000xf32, #tpu.memory_space<vmem>>, vector<2x10000xf32>
    tpu.vector_store %arg1[%swap3A, %swap3A_18], %div3A_17 {strides = array<i32>} : memref<2x10000xf32, #tpu.memory_space<vmem>>, vector<2x10000xf32>,
    return
  }
}

module attributes {stable_mosaic.version = 14 : i64} {
  func.func @_out_body(%arg0: i32, %arg1: memref<2000x128xf32, #tpu.memory_space<vmem>>, %arg2: memref<2000x128xf32, #tpu.memory_space<vmem>>, %arg3: memref<2000x1xf32, #tpu.memory_space<vmem>>, %arg4: memref<128x128xf32, #tpu.memory_space<vmem>>, %arg5: memref<1x128xf32, #tpu.memory_space<vmem>>, %arg6: memref<2000x128xf32, #tpu.memory_space<vmem>>) attributes {dimension_semantics = [#tpu.dimension_semantics<arbitrary>], iteration_bounds = array<i64: 10>, scalar_prefetch = 0 : i64, scratch_operands = 0 : i64, tpu.core_type = #tpu.core_type<tc>, window_params = [{transform_indices = @transform_0, window_bounds = array<i64: 2000, 128>}, {transform_indices = @transform_1, window_bounds = array<i64: 2000, 128>}, {transform_indices = @transform_2, window_bounds = array<i64: 2000, 1>}, {pipeline_mode = #tpu.pipeline_mode<synchronous>, transform_indices = @transform_3, window_bounds = array<i64: 128, 128>}, {pipeline_mode = #tpu.pipeline_mode<synchronous>, transform_indices = @transform_4, window_bounds = array<i64: 1, 128>}, {transform_indices = @transform_5, window_bounds = array<i64: 2000, 128>}]} {
    %get3A = arith.constant 0 : index
    %get3A_0 = arith.constant 0 : index
    %get3A_1 = vector.load %arg1[%get3A, %get3A_0] : memref<2000x128xf32, #tpu.memory_space<vmem>>, vector<2000x128xf32>
    %get3A_2 = arith.constant 0 : index
    %get3A_3 = arith.constant 0 : index
    %get3A_4 = vector.load %arg2[%get3A_2, %get3A_3] : memref<2000x128xf32, #tpu.memory_space<vmem>>, vector<2000x128xf32>
    %mul3A = arith.constant 6.250000e-02 : f32
    %mul3A_5 = vector.broadcast %mul3A : f32 to vector<2000x128xf32>
    %mul3A_6 = arith.mulf %get3A_4, %mul3A_5 : vector<2000x128xf32>
    %add3A = arith.addf %get3A_1, %mul3A_6 : vector<2000x128xf32>
    %get3A_7 = arith.constant 0 : index
    %get3A_8 = arith.constant 0 : index
    %get3A_9 = vector.load %arg3[%get3A_7, %get3A_8] : memref<2000x1xf32, #tpu.memory_space<vmem>>, vector<2000x1xf32>
    %mul3A_10 = vector.broadcast %get3A_9 : vector<2000x1xf32> to vector<2000x128xf32>
    %mul3A_11 = arith.mulf %add3A, %mul3A_10 : vector<2000x128xf32>
    %get3A_12 = arith.constant 0 : index
    %get3A_13 = arith.constant 0 : index
    %get3A_14 = vector.load %arg4[%get3A_12, %get3A_13] : memref<128x128xf32, #tpu.memory_space<vmem>>, vector<128x128xf32>
    %dot_general3A = arith.constant dense<0.000000e+00> : vector<2000x128xf32>
    %dot_general3A_15 = tpu.matmul %mul3A_11, %get3A_14, %dot_general3A {dimension_numbers = #tpu.dot_dimension_numbers<[1], [0], [0], [1], [0, 0, 1, 1], [], []>, transpose_lhs_hint = false} : vector<2000x128xf32>, vector<128x128xf32>, vector<2000x128xf32> -> vector<2000x128xf32>
    %get3A_16 = arith.constant 0 : index
    %get3A_17 = arith.constant 0 : index
    %get3A_18 = vector.load %arg5[%get3A_16, %get3A_17] : memref<1x128xf32, #tpu.memory_space<vmem>>, vector<1x128xf32>
    %add3A_19 = vector.broadcast %get3A_18 : vector<1x128xf32> to vector<2000x128xf32>
    %add3A_20 = arith.addf %dot_general3A_15, %add3A_19 : vector<2000x128xf32>
    %max3A = arith.constant 0.000000e+00 : f32
    %max3A_21 = vector.broadcast %max3A : f32 to vector<2000x128xf32>
    %max3A_22 = arith.maximumf %add3A_20, %max3A_21 : vector<2000x128xf32>
    %swap3A = arith.constant 0 : index
    %swap3A_23 = arith.constant 0 : index
    %swap3A_24 = vector.load %arg6[%swap3A, %swap3A_23] : memref<2000x128xf32, #tpu.memory_space<vmem>>, vector<2000x128xf32>
    tpu.vector_store %arg6[%swap3A, %swap3A_23], %max3A_22 {strides = array<i32>} : memref<2000x128xf32, #tpu.memory_space<vmem>>, vector<2000x128xf32>,
    return
  }
  func.func @transform_0(%arg0: i32) -> (i32, i32) {
    %c0_i32 = arith.constant 0 : i32
    %c0_i32_0 = arith.constant 0 : i32
    return %arg0, %c0_i32 : i32, i32
  }
  func.func @transform_1(%arg0: i32) -> (i32, i32) {
    %c0_i32 = arith.constant 0 : i32
    %c0_i32_0 = arith.constant 0 : i32
    return %arg0, %c0_i32 : i32, i32
  }
  func.func @transform_2(%arg0: i32) -> (i32, i32) {
    %c0_i32 = arith.constant 0 : i32
    %c0_i32_0 = arith.constant 0 : i32
    return %arg0, %c0_i32 : i32, i32
  }
  func.func @transform_3(%arg0: i32) -> (i32, i32) {
    %c0_i32 = arith.constant 0 : i32
    %c0_i32_0 = arith.constant 0 : i32
    %c0_i32_1 = arith.constant 0 : i32
    return %c0_i32, %c0_i32_0 : i32, i32
  }
  func.func @transform_4(%arg0: i32) -> (i32, i32) {
    %c0_i32 = arith.constant 0 : i32
    %c0_i32_0 = arith.constant 0 : i32
    %c0_i32_1 = arith.constant 0 : i32
    return %c0_i32, %c0_i32_0 : i32, i32
  }
  func.func @transform_5(%arg0: i32) -> (i32, i32) {
    %c0_i32 = arith.constant 0 : i32
    %c0_i32_0 = arith.constant 0 : i32
    return %arg0, %c0_i32 : i32, i32
  }
}

</mosaic_0001>

<sc_bundles>
// kernel: kernel.6.cloned.1.call-start
scs
__scs_entry_jumppad:
0x0: {  	(pc) =	sbr.rel $0x88, $3  }
0x1: {  	(tag) =	ssettag $0x0;
	lr =	simm.s32 $0x1  }
0x2: {  	[smem:$0x3F9C] =	sst lr;
	_ =	strace $0xD0000000  }
0x3: {  	_ = 	snop  }
0x4: {  	_ = 	snop  }
0x5: {  	_ = 	snop  }
0x6: {  	_ = 	snop  }
0x7: {  	_ = 	snop  }
__scs_overlays_trampoline_lowered:
0x8: {  	[smem:$0x3FAB] =	sst s0  }
0x9: {  	[smem:$0x3FAC] =	sst s1  }
0xa: {  	[smem:$0x3FAD] =	sst s2  }
0xb: {  	[smem:$0x3FAE] =	sst s3  }
0xc: {  	[smem:$0x3FAF] =	sst s4  }
0xd: {  	[smem:$0x3FB0] =	sst s5  }
0xe: {  	[smem:$0x3FB1] =	sst s6  }
0xf: {  	[smem:$0x3FB2] =	sst s7  }
0x10: {  	[smem:$0x3FB3] =	sst s8  }
0x11: {  	[smem:$0x3FB4] =	sst s9;
	s0 =	simm.s32 @!p0 $0x0  }
0x12: {  	s1 =	sld [smem:$0x3F9A];
	s0 =	simm.s32 @p0 $0x1  }
0x13: {  	[smem:$0x3FB5] =	sst s0;
	s0 =	simm.s32 @!p1 $0x0  }
0x14: {  	s2 =	sld [smem:$0x3F99];
	s0 =	simm.s32 @p1 $0x1  }
0x15: {  	[smem:$0x3FB6] =	sst s0;
	s0 =	simm.s32 @!p2 $0x0  }
0x16: {  	s3 =	sld [smem:$0x3FDB];
	s0 =	simm.s32 @p2 $0x1  }
0x17: {  	s4 =	simm.s32 $0x1BF5;
	[smem:$0x3FB8] =	sst s0  }
0x18: {  	s0 =	sld [smem:$0x3F9B];
	_ =	swait.ge [sflag:s4], $0x0  }
0x19: {  	s7 =	sld [smem:$0x3F9C]  }
0x1a: {  	s8 =	sadd.s32 $0xFFFFE003, lr  }
0x1b: {  	s9 =	sadd.s32 $0xFFFFFEF7, lr;
	s5 =	simm.s32 $0xFFFFFFFF;
	p2 =	slt.u32 s8, $0xFFFFF086  }
0x1c: {  	p1 =	slt.u32 s9, $0xF7A;
	s5 =	simm.s32 @!p2 $0x0  }
0x1d: {  	s5 =	simm.s32 @p1 $0x1;
	p0 =	seq.s32 s7, s2  }
0x1e: {  	s7 =	smul.u32 @!p0 $0xF7A, s2;
	p2 =	seq.s32 @!p0 s5, $0x0  }
0x1f: {  	s9 =	smul.u32 $0xF7A, s1;
	s8 =	simm.s32 @!p0 $0x1BF5;
	p2 =	por !p2, p0  }
0x20: {  	[sflag:s8] =	ssyncset.s32 @!p0 $0xFFFFF086;
	s6 =	sadd.s32 @!p0 s3, s7;
	s7 =	simm.s32 @!p0 $0x108  }
0x21: {  	s3 =	sadd.s32 s3, s9;
	s6 =	sadd.s32 @!p0 $0x88, s6;
	s7 =	simm.s32 @p2 $0x1082  }
0x22: {  	[simem:s7], [sflag:s8] =	dma.local @!p0 [hbm:s6], $0xF7A  }
0x23: {  	s9 =	sor.u32 $0xD0000000, s2;
	s6 =	simm.s32 $0x108;
	_ =	swait.ge @!p0 [sflag:s8], $0x0  }
0x24: {  	s3 =	sadd.s32 $0x88, s3;
	s6 =	simm.s32 @!p1 $0x1082;
	[sflag:s4] =	ssyncset.s32 $0xFFFFF086  }
0x25: {  	[simem:s6], [sflag:s4] =	dma.local [hbm:s3], $0xF7A  }
0x26: {  	[smem:$0x3F9C] =	sst s1;
	(tag) =	ssettag s2;
	_ =	strace s9  }
0x27: {  	s1 =	sld [smem:$0x3FAC]  }
0x28: {  	s2 =	sld [smem:$0x3FAD]  }
0x29: {  	s4 =	sld [smem:$0x3FAF]  }
0x2a: {  	p0 =	seq.s32 s5, $0x0;
	s5 =	sld [smem:$0x3FB0]  }
0x2b: {  	s6 =	sld [smem:$0x3FB1]  }
0x2c: {  	s7 =	sld [smem:$0x3FB2]  }
0x2d: {  	s3 =	simm.s32 $0x108;
	s8 =	sld [smem:$0x3FB3]  }
0x2e: {  	s3 =	simm.s32 @!p0 $0x1082;
	s9 =	sld [smem:$0x3FB4]  }
0x2f: {  	lr =	sadd.s32 s0, s3;
	s0 =	sld [smem:$0x3FAB]  }
0x30: {  	s3 =	sld [smem:$0x3FAE]  }
0x31: {  	[smem:$0x3FB7] =	sst s10  }
0x32: {  	s10 =	sld [smem:$0x3FB5];
	_ =	sdelay $0x3  }
0x33: {  	p0 =	seq.s32 s10, $0x1;
	s10 =	sld [smem:$0x3FB7];
	_ =	sdelay $0x3  }
0x34: {  	[smem:$0x3FB7] =	sst s10  }
0x35: {  	s10 =	sld [smem:$0x3FB6];
	_ =	sdelay $0x3  }
0x36: {  	p1 =	seq.s32 s10, $0x1;
	s10 =	sld [smem:$0x3FB7];
	_ =	sdelay $0x3  }
0x37: {  	[smem:$0x3FB7] =	sst s10  }
0x38: {  	s10 =	sld [smem:$0x3FB8]  }
0x39: {  	_ = 	snop;
	(pc) =	sbr.ind lr, $3  }
0x3a: {  	_ = 	snop  }
0x3b: {  	_ = 	snop  }
0x3c: {  	p2 =	seq.s32 s10, $0x1;
	s10 =	sld [smem:$0x3FB7]  }
0x3d: {  	_ =	shalt  }
0x3e: {  	_ =	shalt  }
0x3f: {  	_ =	shalt  }
0x40: {  	_ =	shalt  }
0x41: {  	_ =	shalt  }
0x42: {  	_ =	shalt  }
0x43: {  	_ =	shalt  }
0x44: {  	_ =	shalt  }
0x45: {  	_ =	shalt  }
0x46: {  	_ =	shalt  }
0x47: {  	_ =	shalt  }
0x48: {  	_ =	shalt  }
0x49: {  	_ =	shalt  }
0x4a: {  	_ =	shalt  }
0x4b: {  	_ =	shalt  }
0x4c: {  	_ =	shalt  }
0x4d: {  	_ =	shalt  }
0x4e: {  	_ =	shalt  }
0x4f: {  	_ =	shalt  }
0x50: {  	_ =	shalt  }
0x51: {  	_ =	shalt  }
0x52: {  	_ =	shalt  }
0x53: {  	_ =	shalt  }
0x54: {  	_ =	shalt  }
0x55: {  	_ =	shalt  }
0x56: {  	_ =	shalt  }
0x57: {  	_ =	shalt  }
0x58: {  	_ =	shalt  }
0x59: {  	_ =	shalt  }
0x5a: {  	_ =	shalt  }
0x5b: {  	_ =	shalt  }
0x5c: {  	_ =	shalt  }
0x5d: {  	_ =	shalt  }
0x5e: {  	_ =	shalt  }
0x5f: {  	_ =	shalt  }
0x60: {  	_ =	shalt  }
0x61: {  	_ =	shalt  }
0x62: {  	_ =	shalt  }
0x63: {  	_ =	shalt  }
0x64: {  	_ =	shalt  }
0x65: {  	_ =	shalt  }
0x66: {  	_ =	shalt  }
0x67: {  	_ =	shalt  }
0x68: {  	_ =	shalt  }
0x69: {  	_ =	shalt  }
0x6a: {  	_ =	shalt  }
0x6b: {  	_ =	shalt  }
0x6c: {  	_ =	shalt  }
0x6d: {  	_ =	shalt  }
0x6e: {  	_ =	shalt  }
0x6f: {  	_ =	shalt  }
0x70: {  	_ =	shalt  }
0x71: {  	_ =	shalt  }
0x72: {  	_ =	shalt  }
0x73: {  	_ =	shalt  }
0x74: {  	_ =	shalt  }
0x75: {  	_ =	shalt  }
0x76: {  	_ =	shalt  }
0x77: {  	_ =	shalt  }
0x78: {  	_ =	shalt  }
0x79: {  	_ =	shalt  }
0x7a: {  	_ =	shalt  }
0x7b: {  	_ =	shalt  }
0x7c: {  	_ =	shalt  }
0x7d: {  	_ =	shalt  }
0x7e: {  	_ =	shalt  }
0x7f: {  	_ =	shalt  }
0x80: {  	_ =	shalt  }
0x81: {  	_ =	shalt  }
0x82: {  	_ =	shalt  }
0x83: {  	_ =	shalt  }
0x84: {  	_ =	shalt  }
0x85: {  	_ =	shalt  }
0x86: {  	_ =	shalt  }
0x87: {  	_ =	shalt  }
.Lfunc_end0:
.L_simem_size_0:
called_computation_lowered:
.L_overlay_start_0:
0x88: {  	s2 =	sld [smem:$0x3FD9]  }
0x89: {  	s3 =	sld [smem:$0x3FFE];
	_ =	sdelay $0x1  }
0x8a: {  	s1 =	srdreg.scid  }
0x8b: {  	s0 =	sand.u32 $0x1, s1  }
0x8c: {  	s17 =	sshll.u32 s0, $0xA;
	s2 =	sadd.s32 s3, s2  }
0x8d: {  	s2 =	sadd.s32 s2, s17  }
0x8e: {  	[smem:$0x3FC3] =	sst s2  }
0x8f: {  	_ = 	snop  }
0x90: {  	s2 =	sld [smem:$0x3FC9]  }
0x91: {  	s18 =	sld [smem:$0x3FD0];
	(tm) =	ssettm $0x1  }
0x92: {  	s4 =	sld [smem:$0x3FFB];
	_ =	sdelay $0x3  }
0x93: {  	_ =	strace s4  }
0x94: {  	s4 =	sld [smem:$0x3FFC];
	_ =	sdelay $0x3  }
0x95: {  	_ =	strace s4  }
0x96: {  	s4 =	sld [smem:$0x3FFD];
	_ =	sdelay $0x3  }
0x97: {  	_ =	strace s4  }
0x98: {  	_ =	strace $0x8FFFFFFF  }
0x99: {  	s19 =	sld [smem:$0x3FDB];
	_ =	sdelay $0x1  }
0x9a: {  	s5 =	simm.s32 $_scs_section_size  }
0x9b: {  	s6 =	simm.s32 $_size__tile_overlayer_lowered;
	s7 =	simm.s32 $_tile_overlayer_lowered  }
0x9c: {  	s22 =	simm.s32 $0x1BFF;
	s21 =	sshll.u32 s7, $0x1;
	s4 =	sadd.s32 s5, s19  }
0x9d: {  	s8 =	simm.s32 $0x0;
	s20 =	sshll.u32 s6, $0x1;
	s6 =	sadd.s32 s21, s4  }
0x9e: {  	[timem:s8], [sflag:s22] =	dma.local [hbm:s6], s20  }
0x9f: {  	_ =	swait.ge [sflag:s22], s20  }
0xa0: {  	s5 =	ssub.s32 $0x0, s20;
	[sflag:s22] =	ssyncset.done $0x0  }
0xa1: {  	[sflag:s22] =	ssyncadd.s32 s5;
	_ =	sdelay $0x1  }
0xa2: {  	s23 =	simm.s32 $0x1B8B  }
0xa3: {  	_ =	swait.ge [sflag:s23], $0x1  }
0xa4: {  	[sflag:s23] =	ssyncset.done $0x0  }
0xa5: {  	s25 =	simm.s32 $0x1B8E;
	s24 =	sld [smem:$0x3FFE];
	[sflag:s23] =	ssyncadd.s32 $0xFFFFFFFF  }
0xa6: {  	s26 =	simm.s32 $execute0_lowered;
	[smem:$0x3FD2] =	sst s25  }
0xa7: {  	s6 =	sshll.u32 s26, $0x1;
	_ =	strace $0x80000046;
	[dreg:$0x1] =	wrdreg $0xFFFFFFFF  }
0xa8: {  	s28 =	simm.s32 $_size_execute0_lowered;
	s4 =	sadd.s32 s4, s6;
	[dreg:$0x0] =	wrdreg $0x0  }
0xa9: {  	s6 =	sshll.u32 s28, $0x1;
	[dreg:$0x2] =	wrdreg s4  }
0xaa: {  	[dreg:$0x3] =	wrdreg s6  }
0xab: {  	[dreg:$0x4] =	wrdreg $0xC0  }
0xac: {  	_ =	task [dreg:s8], $0x5FFFF  }
0xad: {  	[dreg:$0x1] =	wrdreg $0xFFFFFFFF  }
0xae: {  	[dreg:$0x0] =	wrdreg $0x60  }
0xaf: {  	[dreg:$0x2] =	wrdreg s2  }
0xb0: {  	[dreg:$0x3] =	wrdreg s18  }
0xb1: {  	[dreg:$0x4] =	wrdreg s24  }
0xb2: {  	[dreg:$0x5] =	wrdreg $0xD0800  }
0xb3: {  	[dreg:$0x6] =	wrdreg $0x9  }
0xb4: {  	_ =	task.clear_ibuf [dreg:s8], $0x7FFFF;
	_ =	strace $0x90000046  }
0xb5: {  	s29 =	simm.s32 $0x9;
	_ =	strace $0x80000048  }
0xb6: {  	_ =	swait.ge [sflag:s29], $0x1  }
0xb7: {  	[sflag:s29] =	ssyncadd.s32 $0xFFFFFFFF  }
0xb8: {  	_ =	strace $0x90000048  }
0xb9: {  	_ =	sfence  }
0xba: {  	s30 =	sld [smem:$0x0];
	_ =	sdelay $0x2  }
0xbb: {  	s31 =	sshll.u32 s1, $0xD;
	s1 =	sshrl.u32 s1, $0x2  }
0xbc: {  	s3 =	sand.u32 $0x4000, s31;
	s1 =	sadd.s32 s1, s30  }
0xbd: {  	s0 =	sor.u32 s3, s0;
	s1 =	sshll.u32 s1, $0x11  }
0xbe: {  	s0 =	sor.u32 s1, s0  }
0xbf: {  	s0 =	sadd.s32 $0x8F2B, s0  }
0xc0: {  	[sflag:s0] =	ssyncadd.remote.s32 $0x1  }
0xc1: {  	_ =	sfence.sel $0xFFFF  }
0xc2: {  	[dreg:$0x0] =	wrdreg $0xFFFFFFFF;
	(pc) =	sbr.abs _section_cstart, $3  }
0xc3: {  	[dreg:$0x1] =	wrdreg $0xFFFFFFFF  }
0xc4: {  	_ =	task.clear_ibuf [dreg:s8], $0x2FFFF;
	_ =	strace $0x9FFFFFFF  }
0xc5: {  	(tm) =	ssettm $0x7FFFFFFF  }
tec
execute0_lowered:
.L_overlay_start_1:
0x0: {  	(tag) =	ssettag $0x1  }
0x1: {  	s1 =	rddreg [dreg:$0x0]  }
0x2: {  	s2 =	rddreg [dreg:$0x1]  }
0x3: {  	s6 =	rddreg [dreg:$0x2]  }
0x4: {  	s3 =	rddreg [dreg:$0x3];
	s5 =	simm.s32 $0x0  }
0x5: {  	s7 =	srdreg.scid;
	s4 =	stileid.u32;
	s12 =	simm.s32 $0x1000  }
0x6: {  	s13 =	simm.s32 $0x8;
	s14 =	simm.s32 $0x400;
	s15 =	simm.s32 $0x28000  }
0x7: {  	s16 =	simm.s32 $0x1;
	s17 =	simm.s32 $0x80;
	s18 =	simm.s32 $0x1080  }
0x8: {  	s19 =	simm.s32 $0x5080;
	s20 =	simm.s32 $0x9080;
	s21 =	simm.s32 $0x4  }
0x9: {  	s22 =	simm.s32 $0x2;
	s23 =	simm.s32 $0x5;
	s24 =	simm.s32 $0x3  }
0xa: {  	s25 =	simm.s32 $0x6;
	s26 =	simm.s32 $0x0;
	[smem:$0x7FF] =	sst s5  }
0xb: {  	s7 =	sand.u32 $0x1, s7;
	s8 =	sshll.u32 s4, $0x4;
	s10 =	smul.u32 $0x280, s4  }
.Ltmp0:
0xc: {  	s31 =	sshll.u32 s4, $0xE;
	_ =	strace $0x80000047;
	(pc) =	sbr.rel .LBB2_1-.Ltmp0, $4  }
0xd: {  	s9 =	ssub.s32 $0x2, s7;
	s8 =	sadd.s32 s8, s6;
	s6 =	sadd.s32 $0x1200, s6  }
0xe: {  	p0 =	seq.s32 s7, $0x0;
	s11 =	sshrl.u32 s9, $0x1;
	s7 =	sadd.s32 $0x2800, s10  }
0xf: {  	s8 =	sadd.s32 $0x1000, s8;
	s11 =	ssub.s32 s9, s11;
	s7 =	smov.u32 @p0 s10  }
0x10: {  	s10 =	sadd.s32 s31, s3;
	s9 =	sadd.s32 s2, s7;
	s11 =	smax.u32 s11, $0x1  }
.LBB2_5:
0x11: {  	s26 =	sadd.s32 $0x1, s26  }
0x12: {  	p0 =	sne.s32 s26, s11  }
.Ltmp1:
0x13: {  	_ = 	snop;
	(pc) =	sbr.rel @!p0 .LBB2_6-.Ltmp1, $1  }
0x14: {  	_ =	sdelay $0x3  }
.LBB2_1:
0x15: {  	[tilespmem:s12], [sflag:$0x8] =	stream.linear.gather [hbm4b:s8+s5], $0x80, $0x38;
	[tilespmem:$0x11080] =	vst v63  }
0x16: {  	_ =	swait.ge [sflag:s13], $0x80  }
0x17: {  	[sflag:s13] =	ssyncset.done $0x0  }
.Ltmp2:
0x18: {  	[sflag:s13] =	ssyncadd.s32 $0xFFFFFF80;
	(pc) =	sbr.rel .LBB2_2-.Ltmp2, $4  }
0x19: {  	[tilespmem:s5], [sflag:$0x8] =	stream.strided.gather [hbm4b:s9+s14], $0x800, s15, s14, $0x38;
	[tilespmem:$0x11080] =	vst v63  }
0x1a: {  	_ =	swait.ge [sflag:s13], $0x800  }
0x1b: {  	[sflag:s13] =	ssyncset.done $0x0  }
0x1c: {  	s30 =	simm.s32 $0x0;
	[sflag:s13] =	ssyncadd.s32 $0xFFFFF800  }
.LBB2_4:
0x1d: {  	s30 =	sshll.u32 s31, $0xB  }
0x1e: {  	[tilespmem:s18], [sflag:$0x1] =	stream.indirect.gather [hbm4b:s1+s17], $0x80, s30, s17, $0xb8;
	[tilespmem:$0x11080] =	vst v63  }
0x1f: {  	_ =	swait.ge [sflag:s16], $0x4000  }
0x20: {  	[sflag:s16] =	ssyncset.done $0x0  }
0x21: {  	[sflag:s16] =	ssyncadd.s32 $0xFFFFC000  }
0x22: {  	[spmem:s10] =	stream.linear.scatter [tilespmem:s18], [sflag:$0x8], $0x4000, $0x38;
	[tilespmem:$0x11080] =	vst v63  }
0x23: {  	_ =	swait.ge [sflag:s13], $0x4000  }
0x24: {  	[sflag:s13] =	ssyncset.done $0x0  }
0x25: {  	s0 =	sor.u32 $0x80, s30;
	[sflag:s13] =	ssyncadd.s32 $0xFFFFC000  }
0x26: {  	[tilespmem:s18], [sflag:$0x1] =	stream.indirect.gather [hbm4b:s1+s17], $0x80, s0, s17, $0xb8;
	[tilespmem:$0x11080] =	vst v63  }
0x27: {  	s31 =	sor.u32 $0x100, s30  }
0x28: {  	[tilespmem:s19], [sflag:$0x2] =	stream.indirect.gather [hbm4b:s1+s17], $0x80, s31, s17, $0xb8;
	[tilespmem:$0x11080] =	vst v63  }
0x29: {  	s31 =	sor.u32 $0x180, s30  }
0x2a: {  	[tilespmem:s20], [sflag:$0x3] =	stream.indirect.gather [hbm4b:s1+s17], $0x80, s31, s17, $0xb8;
	[tilespmem:$0x11080] =	vst v63  }
0x2b: {  	_ =	swait.ge [sflag:s16], $0x4000  }
0x2c: {  	[sflag:s16] =	ssyncset.done $0x0  }
0x2d: {  	[sflag:s16] =	ssyncadd.s32 $0xFFFFC000  }
0x2e: {  	[spmem:s3] =	stream.indirect.scatter.add.f32 [tilespmem:s18], [sflag:$0x4], $0x80, s12, s17, $0xb8;
	[tilespmem:$0x11080] =	vst v63  }
0x2f: {  	_ =	swait.ge [sflag:s21], $0x4000  }
0x30: {  	[sflag:s21] =	ssyncset.done $0x0  }
0x31: {  	s31 =	sor.u32 $0x200, s30;
	[sflag:s21] =	ssyncadd.s32 $0xFFFFC000  }
0x32: {  	[tilespmem:s18], [sflag:$0x1] =	stream.indirect.gather [hbm4b:s1+s17], $0x80, s31, s17, $0xb8;
	[tilespmem:$0x11080] =	vst v63  }
0x33: {  	_ =	swait.ge [sflag:s22], $0x4000  }
0x34: {  	[sflag:s22] =	ssyncset.done $0x0  }
0x35: {  	[sflag:s22] =	ssyncadd.s32 $0xFFFFC000  }
0x36: {  	[spmem:s3] =	stream.indirect.scatter.add.f32 [tilespmem:s19], [sflag:$0x5], $0x80, s12, s17, $0xb8;
	[tilespmem:$0x11080] =	vst v63  }
0x37: {  	_ =	swait.ge [sflag:s23], $0x4000  }
0x38: {  	[sflag:s23] =	ssyncset.done $0x0  }
0x39: {  	s31 =	sor.u32 $0x280, s30;
	[sflag:s23] =	ssyncadd.s32 $0xFFFFC000  }
0x3a: {  	[tilespmem:s19], [sflag:$0x2] =	stream.indirect.gather [hbm4b:s1+s17], $0x80, s31, s17, $0xb8;
	[tilespmem:$0x11080] =	vst v63  }
0x3b: {  	_ =	swait.ge [sflag:s24], $0x4000  }
0x3c: {  	[sflag:s24] =	ssyncset.done $0x0  }
0x3d: {  	[sflag:s24] =	ssyncadd.s32 $0xFFFFC000  }
0x3e: {  	[spmem:s3] =	stream.indirect.scatter.add.f32 [tilespmem:s20], [sflag:$0x6], $0x80, s12, s17, $0xb8;
	[tilespmem:$0x11080] =	vst v63  }
0x3f: {  	_ =	swait.ge [sflag:s25], $0x4000  }
0x40: {  	[sflag:s25] =	ssyncset.done $0x0  }
0x41: {  	s31 =	sor.u32 $0x300, s30;
	[sflag:s25] =	ssyncadd.s32 $0xFFFFC000  }
0x42: {  	[tilespmem:s20], [sflag:$0x3] =	stream.indirect.gather [hbm4b:s1+s17], $0x80, s31, s17, $0xb8;
	[tilespmem:$0x11080] =	vst v63  }
0x43: {  	_ =	swait.ge [sflag:s16], $0x4000  }
0x44: {  	[sflag:s16] =	ssyncset.done $0x0  }
0x45: {  	[sflag:s16] =	ssyncadd.s32 $0xFFFFC000  }
0x46: {  	[spmem:s3] =	stream.indirect.scatter.add.f32 [tilespmem:s18], [sflag:$0x4], $0x80, s12, s17, $0xb8;
	[tilespmem:$0x11080] =	vst v63  }
0x47: {  	_ =	swait.ge [sflag:s21], $0x4000  }
0x48: {  	[sflag:s21] =	ssyncset.done $0x0  }
0x49: {  	s31 =	sor.u32 $0x380, s30;
	[sflag:s21] =	ssyncadd.s32 $0xFFFFC000  }
0x4a: {  	[tilespmem:s18], [sflag:$0x1] =	stream.indirect.gather [hbm4b:s1+s17], $0x80, s31, s17, $0xb8;
	[tilespmem:$0x11080] =	vst v63  }
0x4b: {  	_ =	swait.ge [sflag:s22], $0x4000  }
0x4c: {  	[sflag:s22] =	ssyncset.done $0x0  }
0x4d: {  	[sflag:s22] =	ssyncadd.s32 $0xFFFFC000  }
0x4e: {  	[spmem:s3] =	stream.indirect.scatter.add.f32 [tilespmem:s19], [sflag:$0x5], $0x80, s12, s17, $0xb8;
	[tilespmem:$0x11080] =	vst v63  }
0x4f: {  	_ =	swait.ge [sflag:s23], $0x4000  }
0x50: {  	[sflag:s23] =	ssyncset.done $0x0  }
0x51: {  	s31 =	sor.u32 $0x400, s30;
	[sflag:s23] =	ssyncadd.s32 $0xFFFFC000  }
0x52: {  	[tilespmem:s19], [sflag:$0x2] =	stream.indirect.gather [hbm4b:s1+s17], $0x80, s31, s17, $0xb8;
	[tilespmem:$0x11080] =	vst v63  }
0x53: {  	_ =	swait.ge [sflag:s24], $0x4000  }
0x54: {  	[sflag:s24] =	ssyncset.done $0x0  }
0x55: {  	[sflag:s24] =	ssyncadd.s32 $0xFFFFC000  }
0x56: {  	[spmem:s3] =	stream.indirect.scatter.add.f32 [tilespmem:s20], [sflag:$0x6], $0x80, s12, s17, $0xb8;
	[tilespmem:$0x11080] =	vst v63  }
0x57: {  	_ =	swait.ge [sflag:s25], $0x4000  }
0x58: {  	[sflag:s25] =	ssyncset.done $0x0  }
0x59: {  	s31 =	sor.u32 $0x480, s30;
	[sflag:s25] =	ssyncadd.s32 $0xFFFFC000  }
0x5a: {  	[tilespmem:s20], [sflag:$0x3] =	stream.indirect.gather [hbm4b:s1+s17], $0x80, s31, s17, $0xb8;
	[tilespmem:$0x11080] =	vst v63  }
0x5b: {  	_ =	swait.ge [sflag:s16], $0x4000  }
0x5c: {  	[sflag:s16] =	ssyncset.done $0x0  }
0x5d: {  	[sflag:s16] =	ssyncadd.s32 $0xFFFFC000  }
0x5e: {  	[spmem:s3] =	stream.indirect.scatter.add.f32 [tilespmem:s18], [sflag:$0x4], $0x80, s12, s17, $0xb8;
	[tilespmem:$0x11080] =	vst v63  }
0x5f: {  	_ =	swait.ge [sflag:s21], $0x4000  }
0x60: {  	[sflag:s21] =	ssyncset.done $0x0  }
0x61: {  	s31 =	sor.u32 $0x500, s30;
	[sflag:s21] =	ssyncadd.s32 $0xFFFFC000  }
0x62: {  	[tilespmem:s18], [sflag:$0x1] =	stream.indirect.gather [hbm4b:s1+s17], $0x80, s31, s17, $0xb8;
	[tilespmem:$0x11080] =	vst v63  }
0x63: {  	_ =	swait.ge [sflag:s22], $0x4000  }
0x64: {  	[sflag:s22] =	ssyncset.done $0x0  }
0x65: {  	[sflag:s22] =	ssyncadd.s32 $0xFFFFC000  }
0x66: {  	[spmem:s3] =	stream.indirect.scatter.add.f32 [tilespmem:s19], [sflag:$0x5], $0x80, s12, s17, $0xb8;
	[tilespmem:$0x11080] =	vst v63  }
0x67: {  	_ =	swait.ge [sflag:s23], $0x4000  }
0x68: {  	[sflag:s23] =	ssyncset.done $0x0  }
0x69: {  	s31 =	sor.u32 $0x580, s30;
	[sflag:s23] =	ssyncadd.s32 $0xFFFFC000  }
0x6a: {  	[tilespmem:s19], [sflag:$0x2] =	stream.indirect.gather [hbm4b:s1+s17], $0x80, s31, s17, $0xb8;
	[tilespmem:$0x11080] =	vst v63  }
0x6b: {  	_ =	swait.ge [sflag:s24], $0x4000  }
0x6c: {  	[sflag:s24] =	ssyncset.done $0x0  }
0x6d: {  	[sflag:s24] =	ssyncadd.s32 $0xFFFFC000  }
0x6e: {  	[spmem:s3] =	stream.indirect.scatter.add.f32 [tilespmem:s20], [sflag:$0x6], $0x80, s12, s17, $0xb8;
	[tilespmem:$0x11080] =	vst v63  }
0x6f: {  	_ =	swait.ge [sflag:s25], $0x4000  }
0x70: {  	[sflag:s25] =	ssyncset.done $0x0  }
0x71: {  	s31 =	sor.u32 $0x600, s30;
	[sflag:s25] =	ssyncadd.s32 $0xFFFFC000  }
0x72: {  	[tilespmem:s20], [sflag:$0x3] =	stream.indirect.gather [hbm4b:s1+s17], $0x80, s31, s17, $0xb8;
	[tilespmem:$0x11080] =	vst v63  }
0x73: {  	_ =	swait.ge [sflag:s16], $0x4000  }
0x74: {  	[sflag:s16] =	ssyncset.done $0x0  }
0x75: {  	[sflag:s16] =	ssyncadd.s32 $0xFFFFC000  }
0x76: {  	[spmem:s3] =	stream.indirect.scatter.add.f32 [tilespmem:s18], [sflag:$0x4], $0x80, s12, s17, $0xb8;
	[tilespmem:$0x11080] =	vst v63  }
0x77: {  	_ =	swait.ge [sflag:s21], $0x4000  }
0x78: {  	[sflag:s21] =	ssyncset.done $0x0  }
0x79: {  	s31 =	sor.u32 $0x680, s30;
	[sflag:s21] =	ssyncadd.s32 $0xFFFFC000  }
0x7a: {  	[tilespmem:s18], [sflag:$0x1] =	stream.indirect.gather [hbm4b:s1+s17], $0x80, s31, s17, $0xb8;
	[tilespmem:$0x11080] =	vst v63  }
0x7b: {  	_ =	swait.ge [sflag:s22], $0x4000  }
0x7c: {  	[sflag:s22] =	ssyncset.done $0x0  }
0x7d: {  	[sflag:s22] =	ssyncadd.s32 $0xFFFFC000  }
0x7e: {  	[spmem:s3] =	stream.indirect.scatter.add.f32 [tilespmem:s19], [sflag:$0x5], $0x80, s12, s17, $0xb8;
	[tilespmem:$0x11080] =	vst v63  }
0x7f: {  	_ =	swait.ge [sflag:s23], $0x4000  }
0x80: {  	[sflag:s23] =	ssyncset.done $0x0  }
0x81: {  	s31 =	sor.u32 $0x700, s30;
	[sflag:s23] =	ssyncadd.s32 $0xFFFFC000  }
0x82: {  	[tilespmem:s19], [sflag:$0x2] =	stream.indirect.gather [hbm4b:s1+s17], $0x80, s31, s17, $0xb8;
	[tilespmem:$0x11080] =	vst v63  }
0x83: {  	_ =	swait.ge [sflag:s24], $0x4000  }
0x84: {  	[sflag:s24] =	ssyncset.done $0x0  }
0x85: {  	[sflag:s24] =	ssyncadd.s32 $0xFFFFC000  }
0x86: {  	[spmem:s3] =	stream.indirect.scatter.add.f32 [tilespmem:s20], [sflag:$0x6], $0x80, s12, s17, $0xb8;
	[tilespmem:$0x11080] =	vst v63  }
0x87: {  	_ =	swait.ge [sflag:s25], $0x4000  }
0x88: {  	[sflag:s25] =	ssyncset.done $0x0  }
0x89: {  	s31 =	sor.u32 $0x780, s30;
	[sflag:s25] =	ssyncadd.s32 $0xFFFFC000  }
0x8a: {  	[tilespmem:s20], [sflag:$0x3] =	stream.indirect.gather [hbm4b:s1+s17], $0x80, s31, s17, $0xb8;
	[tilespmem:$0x11080] =	vst v63  }
0x8b: {  	_ =	swait.ge [sflag:s16], $0x4000  }
0x8c: {  	[sflag:s16] =	ssyncset.done $0x0  }
0x8d: {  	[sflag:s16] =	ssyncadd.s32 $0xFFFFC000  }
0x8e: {  	[spmem:s3] =	stream.indirect.scatter.add.f32 [tilespmem:s18], [sflag:$0x4], $0x80, s12, s17, $0xb8;
	[tilespmem:$0x11080] =	vst v63  }
0x8f: {  	_ =	swait.ge [sflag:s21], $0x4000  }
0x90: {  	[sflag:s21] =	ssyncset.done $0x0  }
0x91: {  	[sflag:s21] =	ssyncadd.s32 $0xFFFFC000  }
0x92: {  	_ =	swait.ge [sflag:s22], $0x4000  }
0x93: {  	[sflag:s22] =	ssyncset.done $0x0  }
0x94: {  	[sflag:s22] =	ssyncadd.s32 $0xFFFFC000  }
0x95: {  	[spmem:s3] =	stream.indirect.scatter.add.f32 [tilespmem:s19], [sflag:$0x5], $0x80, s12, s17, $0xb8;
	[tilespmem:$0x11080] =	vst v63  }
0x96: {  	_ =	swait.ge [sflag:s23], $0x4000  }
0x97: {  	[sflag:s23] =	ssyncset.done $0x0  }
0x98: {  	[sflag:s23] =	ssyncadd.s32 $0xFFFFC000  }
0x99: {  	_ =	swait.ge [sflag:s24], $0x4000  }
0x9a: {  	[sflag:s24] =	ssyncset.done $0x0  }
0x9b: {  	s0 =	sshll.u32 s29, $0x4;
	[sflag:s24] =	ssyncadd.s32 $0xFFFFC000  }
0x9c: {  	[spmem:s3] =	stream.indirect.scatter.add.f32 [tilespmem:s20], [sflag:$0x6], $0x80, s12, s17, $0xb8;
	[tilespmem:$0x11080] =	vst v63  }
0x9d: {  	p0 =	slt.u32 s28, $0x5;
	s0 =	sadd.s32 s6, s0;
	_ =	swait.ge [sflag:s25], $0x4000  }
0x9e: {  	s30 =	sshrl.u32 s10, $0x3;
	s31 =	sshll.u32 s4, $0x6;
	[sflag:s25] =	ssyncset.done $0x0  }
.Ltmp3:
0x9f: {  	s29 =	sor.u32 $0x1C08, s31;
	[sflag:s25] =	ssyncadd.s32 $0xFFFFC000;
	(pc) =	sbr.rel @!p0 .LBB2_5-.Ltmp3, $4  }
0xa0: {  	[hbm:s0], [sflag:s29] =	dma.local [spmem:s30], $0x800  }
0xa1: {  	_ =	swait.ge [sflag:s13], $0x800  }
0xa2: {  	[sflag:s13] =	ssyncset.done $0x0  }
0xa3: {  	s30 =	smov.u32 s28;
	[sflag:s13] =	ssyncadd.s32 $0xFFFFF800  }
.LBB2_2:
0xa4: {  	p0 =	seq.s32 s30, $0x0  }
0xa5: {  	p1 =	seq.s32 @!p0 s30, $0x4  }
0xa6: {  	p1 =	por p0, !p1  }
.Ltmp4:
0xa7: {  	_ = 	snop;
	(pc) =	sbr.rel @!p1 .LBB2_4-.Ltmp4, $4  }
0xa8: {  	s28 =	simm.s32 @!p0 $0x7  }
0xa9: {  	_ =	swait.ge @!p0 [sflag:s28], $0x800  }
0xaa: {  	s31 =	sand.u32 $0x1, s30;
	s29 =	sshll.u32 s30, $0x7;
	[sflag:s28] =	ssyncset.done @!p0 $0x0  }
0xab: {  	s29 =	sadd.s32 s7, s29;
	[sflag:s28] =	ssyncadd.s32 @!p0 $0xFFFFF800;
	s28 =	simm.s32 @!p0 $0x5  }
0xac: {  	s28 =	sadd.s32 $0x80, s29  }
.Ltmp5:
0xad: {  	s0 =	sshll.u32 s31, $0xB;
	s28 =	sand.u32 $0x1FFFFF80, s28;
	(pc) =	sbr.rel .LBB2_4-.Ltmp5, $4  }
0xae: {  	s0 =	sxor.u32 $0x800, s0;
	s28 =	sadd.s32 s2, s28  }
0xaf: {  	[tilespmem:s0], [sflag:$0x7] =	stream.strided.gather [hbm4b:s28+s14], $0x800, s15, s14, $0x38;
	[tilespmem:$0x11080] =	vst v63  }
0xb0: {  	s28 =	sadd.s32 @!p0 $0x1, s30  }
0xb1: {  	s28 =	simm.s32 @p0 $0x1  }
.LBB2_6:
0xb2: {  	_ =	sfence.sel $0x180000  }
0xb3: {  	[bflag:$0x0] =	sbarrier.arrive $0xFFFF  }
0xb4: {  	_ =	strace $0x90000047  }
0xb5: {  	[bflag:$0x2] =	sbarrier.arrive $0xFFFF  }
0xb6: {  	p0 =	sne.s32 s4, $0x0;
	s0 =	rddreg [dreg:$0x4]  }
0xb7: {  	s0 =	sadd.s32 @!p0 $0x100000, s0  }
0xb8: {  	[sflag:s0] =	ssyncadd.tile.s32 @!p0 $0x1;
	_ =	shalt  }
.Lfunc_end2:
_tile_overlayer_lowered:
.L_overlay_start_2:
0xb9: {  	(tag) =	ssettag $0x2  }
0xba: {  	s0 =	rddreg [dreg:$0x0];
	s2 =	stileid.u32  }
0xbb: {  	s1 =	rddreg [dreg:$0x1];
	p0 =	sne.s32 s2, $0x0  }
0xbc: {  	s3 =	rddreg [dreg:$0x2];
	[bflag:$0x3] =	sbarrier.arrive $0xFFFF;
	s2 =	simm.s32 @!p0 $0x1C08  }
0xbd: {  	[timem:s3], [sflag:s2] =	dma.local @!p0 [hbm:s0], s1  }
0xbe: {  	s0 =	simm.s32 @!p0 $0x8  }
0xbf: {  	_ =	swait.ge @!p0 [sflag:s0], s1  }
0xc0: {  	s1 =	ssub.s32 @!p0 $0x0, s1;
	[sflag:s0] =	ssyncset.done @!p0 $0x0  }
0xc1: {  	[sflag:s0] =	ssyncadd.s32 @!p0 s1  }
0xc2: {  	[bflag:$0x3] =	sbarrier.arrive $0xFFFF  }
0xc3: {  	_ =	shalt  }

</sc_bundles>
